<compile_context>
chip_gen: v7x
topology: tpu7x:2x2x1
jax: 0.10.2.dev20260603
libtpu: 0.0.44.dev20260713+nightly
codegen_flags: <defaults>
</compile_context>

<pallas_src>
import functools

import jax
import jax.numpy as jnp
from jax import lax
from jax.experimental import pallas as pl
from jax.experimental.pallas import tpu as pltpu
from jax.experimental.pallas import tpu_sc as plsc

N_ROWS = 1_000_000
N_COLS = 64
BLK = 20000
NB = N_ROWS // BLK

SC_CORES = 2
SC_SUBCORES = 16
NW = SC_CORES * SC_SUBCORES
UNITS = N_ROWS // 16
Q, R = divmod(UNITS, NW)
MAXV = (Q + 1) * 16


NSTREAM = 4
SUB = BLK // NSTREAM


def _dense_body(*refs):
    lrefs = refs[:NSTREAM]
    labref = refs[NSTREAM]
    oref = refs[NSTREAM + 1]
    for k in range(NSTREAM):
        xt = lrefs[k][...].T
        lbl = labref[0, 0, k * SUB:(k + 1) * SUB].astype(jnp.float32)
        m = jnp.max(xt, axis=0)
        ii = lax.broadcasted_iota(jnp.int32, xt.shape, 0).astype(jnp.float32)
        pred = jnp.min(
            jnp.where(xt == m[None, :], ii, jnp.float32(N_COLS)), axis=0
        )
        s = jnp.sum(jnp.exp(xt - m[None, :]), axis=0)
        conf = 1.0 / s
        oref[0, 0, k * SUB:(k + 1) * SUB] = jnp.where(pred == lbl, conf, -conf)


def _dense_call(logits, lab3):
    lspecs = [
        pl.BlockSpec((SUB, N_COLS), lambda i, k=k: (NSTREAM * i + k, 0))
        for k in range(NSTREAM)
    ]
    return pl.pallas_call(
        _dense_body,
        grid=(NB,),
        in_specs=lspecs + [pl.BlockSpec((1, 1, BLK), lambda i: (i, 0, 0))],
        out_specs=pl.BlockSpec((1, 1, BLK), lambda i: (i, 0, 0)),
        out_shape=jax.ShapeDtypeStruct((NB, 1, BLK), jnp.float32),
    )(*([logits] * NSTREAM), lab3)


NSET = 3
SEG = NSET * 240


def _sc_bin_body(v_hbm, bnd_hbm, out_hbm, buf, bndv, cnt, sumc, suma):
    c = lax.axis_index("c")
    s_ = lax.axis_index("s")
    w = s_ * SC_CORES + c
    start = (w * Q + jnp.minimum(w, R)) * 16

    pltpu.sync_copy(bnd_hbm, bndv)
    zero16 = jnp.zeros((16,), jnp.float32)
    for k in range(SEG // 16):
        cnt[pl.ds(k * 16, 16)] = zero16
        sumc[pl.ds(k * 16, 16)] = zero16
        suma[pl.ds(k * 16, 16)] = zero16

    pltpu.sync_copy(v_hbm.at[pl.ds(start, Q * 16)], buf.at[pl.ds(0, Q * 16)])

    @pl.when(w < R)
    def _():
        pltpu.sync_copy(
            v_hbm.at[pl.ds(start + Q * 16, 16)], buf.at[pl.ds(Q * 16, 16)]
        )

    iota16 = lax.iota(jnp.int32, 16)
    ones16 = jnp.ones((16,), jnp.float32)

    def unit(off, setk):
        v = buf[pl.ds(off, 16)]
        confv = jnp.abs(v)
        accf = jnp.where(v > 0, ones16, zero16)
        g = jnp.minimum((confv * 15.0).astype(jnp.int32), 14)
        lo = plsc.load_gather(bndv, [g])
        g = jnp.where(confv <= lo, g - 1, g)
        hi = plsc.load_gather(bndv, [g + 1])
        g = jnp.where(confv > hi, g + 1, g)
        slot = g * 16 + iota16 + setk * jnp.int32(240)
        plsc.addupdate_scatter(cnt, [slot], ones16)
        plsc.addupdate_scatter(sumc, [slot], confv)
        plsc.addupdate_scatter(suma, [slot], accf)

    @plsc.parallel_loop(0, Q, step=1, unroll=9)
    def _(i):
        unit(i * 16, i % NSET)

    @pl.when(w < R)
    def _():
        unit(Q * 16, 0)

    pltpu.sync_copy(cnt, out_hbm.at[pl.ds(w * (3 * SEG), SEG)])
    pltpu.sync_copy(sumc, out_hbm.at[pl.ds(w * (3 * SEG) + SEG, SEG)])
    pltpu.sync_copy(suma, out_hbm.at[pl.ds(w * (3 * SEG) + 2 * SEG, SEG)])


@functools.lru_cache(maxsize=1)
def _make_sc_bin():
    mesh = plsc.VectorSubcoreMesh(
        core_axis_name="c", subcore_axis_name="s", num_cores=SC_CORES
    )
    return pl.kernel(
        _sc_bin_body,
        mesh=mesh,
        compiler_params=pltpu.CompilerParams(needs_layout_passes=False),
        out_type=jax.ShapeDtypeStruct((NW * 3 * SEG,), jnp.float32),
        scratch_types=[
            pltpu.VMEM((MAXV,), jnp.float32),
            pltpu.VMEM((16,), jnp.float32),
            pltpu.VMEM((SEG,), jnp.float32),
            pltpu.VMEM((SEG,), jnp.float32),
            pltpu.VMEM((SEG,), jnp.float32),
        ],
    )


def _final_body(pref, oref):
    p = pref[...]
    s = jnp.sum(p, axis=0)
    cnt240 = s[0:1] + s[1:2] + s[2:3]
    sumc240 = s[3:4] + s[4:5] + s[5:6]
    suma240 = s[6:7] + s[7:8] + s[8:9]
    grp = lax.broadcasted_iota(jnp.int32, (15, 240), 1) // 16
    row = lax.broadcasted_iota(jnp.int32, (15, 240), 0)
    onehot = (grp == row).astype(jnp.float32)
    count = jnp.sum(onehot * cnt240, axis=1)
    sumc = jnp.sum(onehot * sumc240, axis=1)
    suma = jnp.sum(onehot * suma240, axis=1)
    denom = jnp.maximum(count, 1.0)
    contrib = jnp.where(
        count > 0,
        jnp.abs(sumc / denom - suma / denom) * (count / float(N_ROWS)),
        0.0,
    )
    oref[...] = jnp.sum(contrib).reshape(1, 1)


def _final_call(partials):
    return pl.pallas_call(
        _final_body,
        out_shape=jax.ShapeDtypeStruct((1, 1), jnp.float32),
    )(partials)


def kernel(logits, labels):
    lab3 = labels.astype(jnp.int32).reshape(NB, 1, BLK)
    venc = _dense_call(logits, lab3)
    vflat = venc.reshape(N_ROWS)
    bnd = jnp.linspace(0.0, 1.0, 16, dtype=jnp.float32)
    partials = _make_sc_bin()(vflat, bnd)
    ece = _final_call(partials.reshape(NW, 9, 240))
    return ece.reshape(1)

# --- scband reference (transcript-rebuilt; emitter-appended) ---
"""Pipeline reference for scband-eceloss-91027536871498 (READ-ONLY COPY).

The authoritative reference and input builder live on the scoring server;
editing this copy changes nothing except your own understanding.
"""

import jax, jax.numpy as jnp
import numpy as np

N_BINS = 15

def setup_inputs(seed: int = 0) -> dict:
    key = jax.random.key(seed)
    k1, k2 = jax.random.split(key)
    logits = jax.random.normal(k1, (1000000, 64), dtype=jnp.float32)
    labels = jax.random.randint(k2, (1000000,), 0, 64, dtype=jnp.int64)
    return {"logits": logits, "labels": labels}

def reference(logits, labels):
    probs = jax.nn.softmax(logits, axis=1)
    confidences = jnp.max(probs, axis=1)
    predictions = jnp.argmax(probs, axis=1)
    accuracies = (predictions == labels).astype(jnp.float32)
    n = confidences.shape[0]
    bin_boundaries = jnp.linspace(0.0, 1.0, N_BINS + 1)
    lowers = bin_boundaries[:-1]
    uppers = bin_boundaries[1:]
    # in_bin: [n_bins, N] membership mask (conf > lower) & (conf <= upper)
    in_bin = (confidences[None, :] > lowers[:, None]) & (confidences[None, :] <= uppers[:, None])
    in_bin_f = in_bin.astype(jnp.float32)
    count = in_bin_f.sum(axis=1)
    prop_in_bin = count / float(n)
    denom = jnp.maximum(count, 1.0)
    acc_in_bin = (in_bin_f * accuracies[None, :]).sum(axis=1) / denom
    conf_in_bin = (in_bin_f * confidences[None, :]).sum(axis=1) / denom
    contrib = jnp.where(count > 0, jnp.abs(conf_in_bin - acc_in_bin) * prop_in_bin, 0.0)
    ece = jnp.sum(contrib)
    return ece.reshape(1)

if __name__ == "__main__":
    import jax
    _d = setup_inputs()
    print(jax.jit(kernel)(*tuple(_d.values())))

</pallas_src>

<mosaic_0001>
#map = affine_map<(d0, d1) -> (0)>
module attributes {stable_mosaic.version = 14 : i64} {
  func.func @_sc_bin_body(%arg0: i32, %arg1: i32, %arg2: memref<1000000xf32, #tpu.memory_space<hbm>>, %arg3: memref<16xf32, #tpu.memory_space<hbm>>, %arg4: memref<69120xf32, #tpu.memory_space<hbm>>, %arg5: memref<31264xf32, #tpu.memory_space<vmem>>, %arg6: memref<16xf32, #tpu.memory_space<vmem>>, %arg7: memref<720xf32, #tpu.memory_space<vmem>>, %arg8: memref<720xf32, #tpu.memory_space<vmem>>, %arg9: memref<720xf32, #tpu.memory_space<vmem>>) attributes {dimension_semantics = [#tpu.dimension_semantics<core_parallel>, #tpu.dimension_semantics<subcore_parallel>], iteration_bounds = array<i64: 2, 16>, scalar_prefetch = 0 : i64, scratch_operands = 5 : i64, tpu.core_type = #tpu.core_type<sc_vector_subcore>, window_params = [{transform_indices = #map}, {transform_indices = #map}, {transform_indices = #map}]} {
    %mul3A = arith.constant 2 : i32
    %mul3A_0 = arith.muli %arg1, %mul3A : i32
    %add3A = arith.addi %mul3A_0, %arg0 : i32
    %mul3A_1 = arith.constant 1953 : i32
    %mul3A_2 = arith.muli %add3A, %mul3A_1 : i32
    %min3A = arith.constant 4 : i32
    %min3A_3 = arith.minsi %add3A, %min3A : i32
    %add3A_4 = arith.addi %mul3A_2, %min3A_3 : i32
    %mul3A_5 = arith.constant 16 : i32
    %mul3A_6 = arith.muli %add3A_4, %mul3A_5 : i32
    "tpu.region"() ({
      %run_scoped3A = tpu.sem_alloc : memref<!tpu.dma_semaphore, #tpu.memory_space<semaphore_mem>>
      tpu.enqueue_dma source(%arg3 : memref<16xf32, #tpu.memory_space<hbm>>) target(%arg6 : memref<16xf32, #tpu.memory_space<vmem>>) target_semaphore(%run_scoped3A : memref<!tpu.dma_semaphore, #tpu.memory_space<semaphore_mem>>)
      tpu.wait_dma2 semaphore(%run_scoped3A : memref<!tpu.dma_semaphore, #tpu.memory_space<semaphore_mem>>) src(%arg3 : memref<16xf32, #tpu.memory_space<hbm>>) dst(%arg6 : memref<16xf32, #tpu.memory_space<vmem>>)
      tpu.yield
    }) : () -> ()
    %broadcast_in_dim3A = arith.constant 0.000000e+00 : f32
    %broadcast_in_dim3A_7 = vector.broadcast %broadcast_in_dim3A : f32 to vector<16xf32>
    %swap3A = arith.constant 0 : index
    %swap3A_8 = tpu.vector_load %arg7[%swap3A] {strides = array<i32>} : memref<720xf32, #tpu.memory_space<vmem>>, vector<16xf32>,
    tpu.vector_store %arg7[%swap3A], %broadcast_in_dim3A_7 {strides = array<i32>} : memref<720xf32, #tpu.memory_space<vmem>>, vector<16xf32>,
    %swap3A_9 = arith.constant 0 : index
    %swap3A_10 = tpu.vector_load %arg8[%swap3A_9] {strides = array<i32>} : memref<720xf32, #tpu.memory_space<vmem>>, vector<16xf32>,
    tpu.vector_store %arg8[%swap3A_9], %broadcast_in_dim3A_7 {strides = array<i32>} : memref<720xf32, #tpu.memory_space<vmem>>, vector<16xf32>,
    %swap3A_11 = arith.constant 0 : index
    %swap3A_12 = tpu.vector_load %arg9[%swap3A_11] {strides = array<i32>} : memref<720xf32, #tpu.memory_space<vmem>>, vector<16xf32>,
    tpu.vector_store %arg9[%swap3A_11], %broadcast_in_dim3A_7 {strides = array<i32>} : memref<720xf32, #tpu.memory_space<vmem>>, vector<16xf32>,
    %swap3A_13 = arith.constant 16 : index
    %swap3A_14 = tpu.vector_load %arg7[%swap3A_13] {strides = array<i32>} : memref<720xf32, #tpu.memory_space<vmem>>, vector<16xf32>,
    tpu.vector_store %arg7[%swap3A_13], %broadcast_in_dim3A_7 {strides = array<i32>} : memref<720xf32, #tpu.memory_space<vmem>>, vector<16xf32>,
    %swap3A_15 = arith.constant 16 : index
    %swap3A_16 = tpu.vector_load %arg8[%swap3A_15] {strides = array<i32>} : memref<720xf32, #tpu.memory_space<vmem>>, vector<16xf32>,
    tpu.vector_store %arg8[%swap3A_15], %broadcast_in_dim3A_7 {strides = array<i32>} : memref<720xf32, #tpu.memory_space<vmem>>, vector<16xf32>,
    %swap3A_17 = arith.constant 16 : index
    %swap3A_18 = tpu.vector_load %arg9[%swap3A_17] {strides = array<i32>} : memref<720xf32, #tpu.memory_space<vmem>>, vector<16xf32>,
    tpu.vector_store %arg9[%swap3A_17], %broadcast_in_dim3A_7 {strides = array<i32>} : memref<720xf32, #tpu.memory_space<vmem>>, vector<16xf32>,
    %swap3A_19 = arith.constant 32 : index
    %swap3A_20 = tpu.vector_load %arg7[%swap3A_19] {strides = array<i32>} : memref<720xf32, #tpu.memory_space<vmem>>, vector<16xf32>,
    tpu.vector_store %arg7[%swap3A_19], %broadcast_in_dim3A_7 {strides = array<i32>} : memref<720xf32, #tpu.memory_space<vmem>>, vector<16xf32>,
    %swap3A_21 = arith.constant 32 : index
    %swap3A_22 = tpu.vector_load %arg8[%swap3A_21] {strides = array<i32>} : memref<720xf32, #tpu.memory_space<vmem>>, vector<16xf32>,
    tpu.vector_store %arg8[%swap3A_21], %broadcast_in_dim3A_7 {strides = array<i32>} : memref<720xf32, #tpu.memory_space<vmem>>, vector<16xf32>,
    %swap3A_23 = arith.constant 32 : index
    %swap3A_24 = tpu.vector_load %arg9[%swap3A_23] {strides = array<i32>} : memref<720xf32, #tpu.memory_space<vmem>>, vector<16xf32>,
    tpu.vector_store %arg9[%swap3A_23], %broadcast_in_dim3A_7 {strides = array<i32>} : memref<720xf32, #tpu.memory_space<vmem>>, vector<16xf32>,
    %swap3A_25 = arith.constant 48 : index
    %swap3A_26 = tpu.vector_load %arg7[%swap3A_25] {strides = array<i32>} : memref<720xf32, #tpu.memory_space<vmem>>, vector<16xf32>,
    tpu.vector_store %arg7[%swap3A_25], %broadcast_in_dim3A_7 {strides = array<i32>} : memref<720xf32, #tpu.memory_space<vmem>>, vector<16xf32>,
    %swap3A_27 = arith.constant 48 : index
    %swap3A_28 = tpu.vector_load %arg8[%swap3A_27] {strides = array<i32>} : memref<720xf32, #tpu.memory_space<vmem>>, vector<16xf32>,
    tpu.vector_store %arg8[%swap3A_27], %broadcast_in_dim3A_7 {strides = array<i32>} : memref<720xf32, #tpu.memory_space<vmem>>, vector<16xf32>,
    %swap3A_29 = arith.constant 48 : index
    %swap3A_30 = tpu.vector_load %arg9[%swap3A_29] {strides = array<i32>} : memref<720xf32, #tpu.memory_space<vmem>>, vector<16xf32>,
    tpu.vector_store %arg9[%swap3A_29], %broadcast_in_dim3A_7 {strides = array<i32>} : memref<720xf32, #tpu.memory_space<vmem>>, vector<16xf32>,
    %swap3A_31 = arith.constant 64 : index
    %swap3A_32 = tpu.vector_load %arg7[%swap3A_31] {strides = array<i32>} : memref<720xf32, #tpu.memory_space<vmem>>, vector<16xf32>,
    tpu.vector_store %arg7[%swap3A_31], %broadcast_in_dim3A_7 {strides = array<i32>} : memref<720xf32, #tpu.memory_space<vmem>>, vector<16xf32>,
    %swap3A_33 = arith.constant 64 : index
    %swap3A_34 = tpu.vector_load %arg8[%swap3A_33] {strides = array<i32>} : memref<720xf32, #tpu.memory_space<vmem>>, vector<16xf32>,
    tpu.vector_store %arg8[%swap3A_33], %broadcast_in_dim3A_7 {strides = array<i32>} : memref<720xf32, #tpu.memory_space<vmem>>, vector<16xf32>,
    %swap3A_35 = arith.constant 64 : index
    %swap3A_36 = tpu.vector_load %arg9[%swap3A_35] {strides = array<i32>} : memref<720xf32, #tpu.memory_space<vmem>>, vector<16xf32>,
    tpu.vector_store %arg9[%swap3A_35], %broadcast_in_dim3A_7 {strides = array<i32>} : memref<720xf32, #tpu.memory_space<vmem>>, vector<16xf32>,
    %swap3A_37 = arith.constant 80 : index
    %swap3A_38 = tpu.vector_load %arg7[%swap3A_37] {strides = array<i32>} : memref<720xf32, #tpu.memory_space<vmem>>, vector<16xf32>,
    tpu.vector_store %arg7[%swap3A_37], %broadcast_in_dim3A_7 {strides = array<i32>} : memref<720xf32, #tpu.memory_space<vmem>>, vector<16xf32>,
    %swap3A_39 = arith.constant 80 : index
    %swap3A_40 = tpu.vector_load %arg8[%swap3A_39] {strides = array<i32>} : memref<720xf32, #tpu.memory_space<vmem>>, vector<16xf32>,
    tpu.vector_store %arg8[%swap3A_39], %broadcast_in_dim3A_7 {strides = array<i32>} : memref<720xf32, #tpu.memory_space<vmem>>, vector<16xf32>,
    %swap3A_41 = arith.constant 80 : index
    %swap3A_42 = tpu.vector_load %arg9[%swap3A_41] {strides = array<i32>} : memref<720xf32, #tpu.memory_space<vmem>>, vector<16xf32>,
    tpu.vector_store %arg9[%swap3A_41], %broadcast_in_dim3A_7 {strides = array<i32>} : memref<720xf32, #tpu.memory_space<vmem>>, vector<16xf32>,
    %swap3A_43 = arith.constant 96 : index
    %swap3A_44 = tpu.vector_load %arg7[%swap3A_43] {strides = array<i32>} : memref<720xf32, #tpu.memory_space<vmem>>, vector<16xf32>,
    tpu.vector_store %arg7[%swap3A_43], %broadcast_in_dim3A_7 {strides = array<i32>} : memref<720xf32, #tpu.memory_space<vmem>>, vector<16xf32>,
    %swap3A_45 = arith.constant 96 : index
    %swap3A_46 = tpu.vector_load %arg8[%swap3A_45] {strides = array<i32>} : memref<720xf32, #tpu.memory_space<vmem>>, vector<16xf32>,
    tpu.vector_store %arg8[%swap3A_45], %broadcast_in_dim3A_7 {strides = array<i32>} : memref<720xf32, #tpu.memory_space<vmem>>, vector<16xf32>,
    %swap3A_47 = arith.constant 96 : index
    %swap3A_48 = tpu.vector_load %arg9[%swap3A_47] {strides = array<i32>} : memref<720xf32, #tpu.memory_space<vmem>>, vector<16xf32>,
    tpu.vector_store %arg9[%swap3A_47], %broadcast_in_dim3A_7 {strides = array<i32>} : memref<720xf32, #tpu.memory_space<vmem>>, vector<16xf32>,
    %swap3A_49 = arith.constant 112 : index
    %swap3A_50 = tpu.vector_load %arg7[%swap3A_49] {strides = array<i32>} : memref<720xf32, #tpu.memory_space<vmem>>, vector<16xf32>,
    tpu.vector_store %arg7[%swap3A_49], %broadcast_in_dim3A_7 {strides = array<i32>} : memref<720xf32, #tpu.memory_space<vmem>>, vector<16xf32>,
    %swap3A_51 = arith.constant 112 : index
    %swap3A_52 = tpu.vector_load %arg8[%swap3A_51] {strides = array<i32>} : memref<720xf32, #tpu.memory_space<vmem>>, vector<16xf32>,
    tpu.vector_store %arg8[%swap3A_51], %broadcast_in_dim3A_7 {strides = array<i32>} : memref<720xf32, #tpu.memory_space<vmem>>, vector<16xf32>,
    %swap3A_53 = arith.constant 112 : index
    %swap3A_54 = tpu.vector_load %arg9[%swap3A_53] {strides = array<i32>} : memref<720xf32, #tpu.memory_space<vmem>>, vector<16xf32>,
    tpu.vector_store %arg9[%swap3A_53], %broadcast_in_dim3A_7 {strides = array<i32>} : memref<720xf32, #tpu.memory_space<vmem>>, vector<16xf32>,
    %swap3A_55 = arith.constant 128 : index
    %swap3A_56 = tpu.vector_load %arg7[%swap3A_55] {strides = array<i32>} : memref<720xf32, #tpu.memory_space<vmem>>, vector<16xf32>,
    tpu.vector_store %arg7[%swap3A_55], %broadcast_in_dim3A_7 {strides = array<i32>} : memref<720xf32, #tpu.memory_space<vmem>>, vector<16xf32>,
    %swap3A_57 = arith.constant 128 : index
    %swap3A_58 = tpu.vector_load %arg8[%swap3A_57] {strides = array<i32>} : memref<720xf32, #tpu.memory_space<vmem>>, vector<16xf32>,
    tpu.vector_store %arg8[%swap3A_57], %broadcast_in_dim3A_7 {strides = array<i32>} : memref<720xf32, #tpu.memory_space<vmem>>, vector<16xf32>,
    %swap3A_59 = arith.constant 128 : index
    %swap3A_60 = tpu.vector_load %arg9[%swap3A_59] {strides = array<i32>} : memref<720xf32, #tpu.memory_space<vmem>>, vector<16xf32>,
    tpu.vector_store %arg9[%swap3A_59], %broadcast_in_dim3A_7 {strides = array<i32>} : memref<720xf32, #tpu.memory_space<vmem>>, vector<16xf32>,
    %swap3A_61 = arith.constant 144 : index
    %swap3A_62 = tpu.vector_load %arg7[%swap3A_61] {strides = array<i32>} : memref<720xf32, #tpu.memory_space<vmem>>, vector<16xf32>,
    tpu.vector_store %arg7[%swap3A_61], %broadcast_in_dim3A_7 {strides = array<i32>} : memref<720xf32, #tpu.memory_space<vmem>>, vector<16xf32>,
    %swap3A_63 = arith.constant 144 : index
    %swap3A_64 = tpu.vector_load %arg8[%swap3A_63] {strides = array<i32>} : memref<720xf32, #tpu.memory_space<vmem>>, vector<16xf32>,
    tpu.vector_store %arg8[%swap3A_63], %broadcast_in_dim3A_7 {strides = array<i32>} : memref<720xf32, #tpu.memory_space<vmem>>, vector<16xf32>,
    %swap3A_65 = arith.constant 144 : index
    %swap3A_66 = tpu.vector_load %arg9[%swap3A_65] {strides = array<i32>} : memref<720xf32, #tpu.memory_space<vmem>>, vector<16xf32>,
    tpu.vector_store %arg9[%swap3A_65], %broadcast_in_dim3A_7 {strides = array<i32>} : memref<720xf32, #tpu.memory_space<vmem>>, vector<16xf32>,
    %swap3A_67 = arith.constant 160 : index
    %swap3A_68 = tpu.vector_load %arg7[%swap3A_67] {strides = array<i32>} : memref<720xf32, #tpu.memory_space<vmem>>, vector<16xf32>,
    tpu.vector_store %arg7[%swap3A_67], %broadcast_in_dim3A_7 {strides = array<i32>} : memref<720xf32, #tpu.memory_space<vmem>>, vector<16xf32>,
    %swap3A_69 = arith.constant 160 : index
    %swap3A_70 = tpu.vector_load %arg8[%swap3A_69] {strides = array<i32>} : memref<720xf32, #tpu.memory_space<vmem>>, vector<16xf32>,
    tpu.vector_store %arg8[%swap3A_69], %broadcast_in_dim3A_7 {strides = array<i32>} : memref<720xf32, #tpu.memory_space<vmem>>, vector<16xf32>,
    %swap3A_71 = arith.constant 160 : index
    %swap3A_72 = tpu.vector_load %arg9[%swap3A_71] {strides = array<i32>} : memref<720xf32, #tpu.memory_space<vmem>>, vector<16xf32>,
    tpu.vector_store %arg9[%swap3A_71], %broadcast_in_dim3A_7 {strides = array<i32>} : memref<720xf32, #tpu.memory_space<vmem>>, vector<16xf32>,
    %swap3A_73 = arith.constant 176 : index
    %swap3A_74 = tpu.vector_load %arg7[%swap3A_73] {strides = array<i32>} : memref<720xf32, #tpu.memory_space<vmem>>, vector<16xf32>,
    tpu.vector_store %arg7[%swap3A_73], %broadcast_in_dim3A_7 {strides = array<i32>} : memref<720xf32, #tpu.memory_space<vmem>>, vector<16xf32>,
    %swap3A_75 = arith.constant 176 : index
    %swap3A_76 = tpu.vector_load %arg8[%swap3A_75] {strides = array<i32>} : memref<720xf32, #tpu.memory_space<vmem>>, vector<16xf32>,
    tpu.vector_store %arg8[%swap3A_75], %broadcast_in_dim3A_7 {strides = array<i32>} : memref<720xf32, #tpu.memory_space<vmem>>, vector<16xf32>,
    %swap3A_77 = arith.constant 176 : index
    %swap3A_78 = tpu.vector_load %arg9[%swap3A_77] {strides = array<i32>} : memref<720xf32, #tpu.memory_space<vmem>>, vector<16xf32>,
    tpu.vector_store %arg9[%swap3A_77], %broadcast_in_dim3A_7 {strides = array<i32>} : memref<720xf32, #tpu.memory_space<vmem>>, vector<16xf32>,
    %swap3A_79 = arith.constant 192 : index
    %swap3A_80 = tpu.vector_load %arg7[%swap3A_79] {strides = array<i32>} : memref<720xf32, #tpu.memory_space<vmem>>, vector<16xf32>,
    tpu.vector_store %arg7[%swap3A_79], %broadcast_in_dim3A_7 {strides = array<i32>} : memref<720xf32, #tpu.memory_space<vmem>>, vector<16xf32>,
    %swap3A_81 = arith.constant 192 : index
    %swap3A_82 = tpu.vector_load %arg8[%swap3A_81] {strides = array<i32>} : memref<720xf32, #tpu.memory_space<vmem>>, vector<16xf32>,
    tpu.vector_store %arg8[%swap3A_81], %broadcast_in_dim3A_7 {strides = array<i32>} : memref<720xf32, #tpu.memory_space<vmem>>, vector<16xf32>,
    %swap3A_83 = arith.constant 192 : index
    %swap3A_84 = tpu.vector_load %arg9[%swap3A_83] {strides = array<i32>} : memref<720xf32, #tpu.memory_space<vmem>>, vector<16xf32>,
    tpu.vector_store %arg9[%swap3A_83], %broadcast_in_dim3A_7 {strides = array<i32>} : memref<720xf32, #tpu.memory_space<vmem>>, vector<16xf32>,
    %swap3A_85 = arith.constant 208 : index
    %swap3A_86 = tpu.vector_load %arg7[%swap3A_85] {strides = array<i32>} : memref<720xf32, #tpu.memory_space<vmem>>, vector<16xf32>,
    tpu.vector_store %arg7[%swap3A_85], %broadcast_in_dim3A_7 {strides = array<i32>} : memref<720xf32, #tpu.memory_space<vmem>>, vector<16xf32>,
    %swap3A_87 = arith.constant 208 : index
    %swap3A_88 = tpu.vector_load %arg8[%swap3A_87] {strides = array<i32>} : memref<720xf32, #tpu.memory_space<vmem>>, vector<16xf32>,
    tpu.vector_store %arg8[%swap3A_87], %broadcast_in_dim3A_7 {strides = array<i32>} : memref<720xf32, #tpu.memory_space<vmem>>, vector<16xf32>,
    %swap3A_89 = arith.constant 208 : index
    %swap3A_90 = tpu.vector_load %arg9[%swap3A_89] {strides = array<i32>} : memref<720xf32, #tpu.memory_space<vmem>>, vector<16xf32>,
    tpu.vector_store %arg9[%swap3A_89], %broadcast_in_dim3A_7 {strides = array<i32>} : memref<720xf32, #tpu.memory_space<vmem>>, vector<16xf32>,
    %swap3A_91 = arith.constant 224 : index
    %swap3A_92 = tpu.vector_load %arg7[%swap3A_91] {strides = array<i32>} : memref<720xf32, #tpu.memory_space<vmem>>, vector<16xf32>,
    tpu.vector_store %arg7[%swap3A_91], %broadcast_in_dim3A_7 {strides = array<i32>} : memref<720xf32, #tpu.memory_space<vmem>>, vector<16xf32>,
    %swap3A_93 = arith.constant 224 : index
    %swap3A_94 = tpu.vector_load %arg8[%swap3A_93] {strides = array<i32>} : memref<720xf32, #tpu.memory_space<vmem>>, vector<16xf32>,
    tpu.vector_store %arg8[%swap3A_93], %broadcast_in_dim3A_7 {strides = array<i32>} : memref<720xf32, #tpu.memory_space<vmem>>, vector<16xf32>,
    %swap3A_95 = arith.constant 224 : index
    %swap3A_96 = tpu.vector_load %arg9[%swap3A_95] {strides = array<i32>} : memref<720xf32, #tpu.memory_space<vmem>>, vector<16xf32>,
    tpu.vector_store %arg9[%swap3A_95], %broadcast_in_dim3A_7 {strides = array<i32>} : memref<720xf32, #tpu.memory_space<vmem>>, vector<16xf32>,
    %swap3A_97 = arith.constant 240 : index
    %swap3A_98 = tpu.vector_load %arg7[%swap3A_97] {strides = array<i32>} : memref<720xf32, #tpu.memory_space<vmem>>, vector<16xf32>,
    tpu.vector_store %arg7[%swap3A_97], %broadcast_in_dim3A_7 {strides = array<i32>} : memref<720xf32, #tpu.memory_space<vmem>>, vector<16xf32>,
    %swap3A_99 = arith.constant 240 : index
    %swap3A_100 = tpu.vector_load %arg8[%swap3A_99] {strides = array<i32>} : memref<720xf32, #tpu.memory_space<vmem>>, vector<16xf32>,
    tpu.vector_store %arg8[%swap3A_99], %broadcast_in_dim3A_7 {strides = array<i32>} : memref<720xf32, #tpu.memory_space<vmem>>, vector<16xf32>,
    %swap3A_101 = arith.constant 240 : index
    %swap3A_102 = tpu.vector_load %arg9[%swap3A_101] {strides = array<i32>} : memref<720xf32, #tpu.memory_space<vmem>>, vector<16xf32>,
    tpu.vector_store %arg9[%swap3A_101], %broadcast_in_dim3A_7 {strides = array<i32>} : memref<720xf32, #tpu.memory_space<vmem>>, vector<16xf32>,
    %swap3A_103 = arith.constant 256 : index
    %swap3A_104 = tpu.vector_load %arg7[%swap3A_103] {strides = array<i32>} : memref<720xf32, #tpu.memory_space<vmem>>, vector<16xf32>,
    tpu.vector_store %arg7[%swap3A_103], %broadcast_in_dim3A_7 {strides = array<i32>} : memref<720xf32, #tpu.memory_space<vmem>>, vector<16xf32>,
    %swap3A_105 = arith.constant 256 : index
    %swap3A_106 = tpu.vector_load %arg8[%swap3A_105] {strides = array<i32>} : memref<720xf32, #tpu.memory_space<vmem>>, vector<16xf32>,
    tpu.vector_store %arg8[%swap3A_105], %broadcast_in_dim3A_7 {strides = array<i32>} : memref<720xf32, #tpu.memory_space<vmem>>, vector<16xf32>,
    %swap3A_107 = arith.constant 256 : index
    %swap3A_108 = tpu.vector_load %arg9[%swap3A_107] {strides = array<i32>} : memref<720xf32, #tpu.memory_space<vmem>>, vector<16xf32>,
    tpu.vector_store %arg9[%swap3A_107], %broadcast_in_dim3A_7 {strides = array<i32>} : memref<720xf32, #tpu.memory_space<vmem>>, vector<16xf32>,
    %swap3A_109 = arith.constant 272 : index
    %swap3A_110 = tpu.vector_load %arg7[%swap3A_109] {strides = array<i32>} : memref<720xf32, #tpu.memory_space<vmem>>, vector<16xf32>,
    tpu.vector_store %arg7[%swap3A_109], %broadcast_in_dim3A_7 {strides = array<i32>} : memref<720xf32, #tpu.memory_space<vmem>>, vector<16xf32>,
    %swap3A_111 = arith.constant 272 : index
    %swap3A_112 = tpu.vector_load %arg8[%swap3A_111] {strides = array<i32>} : memref<720xf32, #tpu.memory_space<vmem>>, vector<16xf32>,
    tpu.vector_store %arg8[%swap3A_111], %broadcast_in_dim3A_7 {strides = array<i32>} : memref<720xf32, #tpu.memory_space<vmem>>, vector<16xf32>,
    %swap3A_113 = arith.constant 272 : index
    %swap3A_114 = tpu.vector_load %arg9[%swap3A_113] {strides = array<i32>} : memref<720xf32, #tpu.memory_space<vmem>>, vector<16xf32>,
    tpu.vector_store %arg9[%swap3A_113], %broadcast_in_dim3A_7 {strides = array<i32>} : memref<720xf32, #tpu.memory_space<vmem>>, vector<16xf32>,
    %swap3A_115 = arith.constant 288 : index
    %swap3A_116 = tpu.vector_load %arg7[%swap3A_115] {strides = array<i32>} : memref<720xf32, #tpu.memory_space<vmem>>, vector<16xf32>,
    tpu.vector_store %arg7[%swap3A_115], %broadcast_in_dim3A_7 {strides = array<i32>} : memref<720xf32, #tpu.memory_space<vmem>>, vector<16xf32>,
    %swap3A_117 = arith.constant 288 : index
    %swap3A_118 = tpu.vector_load %arg8[%swap3A_117] {strides = array<i32>} : memref<720xf32, #tpu.memory_space<vmem>>, vector<16xf32>,
    tpu.vector_store %arg8[%swap3A_117], %broadcast_in_dim3A_7 {strides = array<i32>} : memref<720xf32, #tpu.memory_space<vmem>>, vector<16xf32>,
    %swap3A_119 = arith.constant 288 : index
    %swap3A_120 = tpu.vector_load %arg9[%swap3A_119] {strides = array<i32>} : memref<720xf32, #tpu.memory_space<vmem>>, vector<16xf32>,
    tpu.vector_store %arg9[%swap3A_119], %broadcast_in_dim3A_7 {strides = array<i32>} : memref<720xf32, #tpu.memory_space<vmem>>, vector<16xf32>,
    %swap3A_121 = arith.constant 304 : index
    %swap3A_122 = tpu.vector_load %arg7[%swap3A_121] {strides = array<i32>} : memref<720xf32, #tpu.memory_space<vmem>>, vector<16xf32>,
    tpu.vector_store %arg7[%swap3A_121], %broadcast_in_dim3A_7 {strides = array<i32>} : memref<720xf32, #tpu.memory_space<vmem>>, vector<16xf32>,
    %swap3A_123 = arith.constant 304 : index
    %swap3A_124 = tpu.vector_load %arg8[%swap3A_123] {strides = array<i32>} : memref<720xf32, #tpu.memory_space<vmem>>, vector<16xf32>,
    tpu.vector_store %arg8[%swap3A_123], %broadcast_in_dim3A_7 {strides = array<i32>} : memref<720xf32, #tpu.memory_space<vmem>>, vector<16xf32>,
    %swap3A_125 = arith.constant 304 : index
    %swap3A_126 = tpu.vector_load %arg9[%swap3A_125] {strides = array<i32>} : memref<720xf32, #tpu.memory_space<vmem>>, vector<16xf32>,
    tpu.vector_store %arg9[%swap3A_125], %broadcast_in_dim3A_7 {strides = array<i32>} : memref<720xf32, #tpu.memory_space<vmem>>, vector<16xf32>,
    %swap3A_127 = arith.constant 320 : index
    %swap3A_128 = tpu.vector_load %arg7[%swap3A_127] {strides = array<i32>} : memref<720xf32, #tpu.memory_space<vmem>>, vector<16xf32>,
    tpu.vector_store %arg7[%swap3A_127], %broadcast_in_dim3A_7 {strides = array<i32>} : memref<720xf32, #tpu.memory_space<vmem>>, vector<16xf32>,
    %swap3A_129 = arith.constant 320 : index
    %swap3A_130 = tpu.vector_load %arg8[%swap3A_129] {strides = array<i32>} : memref<720xf32, #tpu.memory_space<vmem>>, vector<16xf32>,
    tpu.vector_store %arg8[%swap3A_129], %broadcast_in_dim3A_7 {strides = array<i32>} : memref<720xf32, #tpu.memory_space<vmem>>, vector<16xf32>,
    %swap3A_131 = arith.constant 320 : index
    %swap3A_132 = tpu.vector_load %arg9[%swap3A_131] {strides = array<i32>} : memref<720xf32, #tpu.memory_space<vmem>>, vector<16xf32>,
    tpu.vector_store %arg9[%swap3A_131], %broadcast_in_dim3A_7 {strides = array<i32>} : memref<720xf32, #tpu.memory_space<vmem>>, vector<16xf32>,
    %swap3A_133 = arith.constant 336 : index
    %swap3A_134 = tpu.vector_load %arg7[%swap3A_133] {strides = array<i32>} : memref<720xf32, #tpu.memory_space<vmem>>, vector<16xf32>,
    tpu.vector_store %arg7[%swap3A_133], %broadcast_in_dim3A_7 {strides = array<i32>} : memref<720xf32, #tpu.memory_space<vmem>>, vector<16xf32>,
    %swap3A_135 = arith.constant 336 : index
    %swap3A_136 = tpu.vector_load %arg8[%swap3A_135] {strides = array<i32>} : memref<720xf32, #tpu.memory_space<vmem>>, vector<16xf32>,
    tpu.vector_store %arg8[%swap3A_135], %broadcast_in_dim3A_7 {strides = array<i32>} : memref<720xf32, #tpu.memory_space<vmem>>, vector<16xf32>,
    %swap3A_137 = arith.constant 336 : index
    %swap3A_138 = tpu.vector_load %arg9[%swap3A_137] {strides = array<i32>} : memref<720xf32, #tpu.memory_space<vmem>>, vector<16xf32>,
    tpu.vector_store %arg9[%swap3A_137], %broadcast_in_dim3A_7 {strides = array<i32>} : memref<720xf32, #tpu.memory_space<vmem>>, vector<16xf32>,
    %swap3A_139 = arith.constant 352 : index
    %swap3A_140 = tpu.vector_load %arg7[%swap3A_139] {strides = array<i32>} : memref<720xf32, #tpu.memory_space<vmem>>, vector<16xf32>,
    tpu.vector_store %arg7[%swap3A_139], %broadcast_in_dim3A_7 {strides = array<i32>} : memref<720xf32, #tpu.memory_space<vmem>>, vector<16xf32>,
    %swap3A_141 = arith.constant 352 : index
    %swap3A_142 = tpu.vector_load %arg8[%swap3A_141] {strides = array<i32>} : memref<720xf32, #tpu.memory_space<vmem>>, vector<16xf32>,
    tpu.vector_store %arg8[%swap3A_141], %broadcast_in_dim3A_7 {strides = array<i32>} : memref<720xf32, #tpu.memory_space<vmem>>, vector<16xf32>,
    %swap3A_143 = arith.constant 352 : index
    %swap3A_144 = tpu.vector_load %arg9[%swap3A_143] {strides = array<i32>} : memref<720xf32, #tpu.memory_space<vmem>>, vector<16xf32>,
    tpu.vector_store %arg9[%swap3A_143], %broadcast_in_dim3A_7 {strides = array<i32>} : memref<720xf32, #tpu.memory_space<vmem>>, vector<16xf32>,
    %swap3A_145 = arith.constant 368 : index
    %swap3A_146 = tpu.vector_load %arg7[%swap3A_145] {strides = array<i32>} : memref<720xf32, #tpu.memory_space<vmem>>, vector<16xf32>,
    tpu.vector_store %arg7[%swap3A_145], %broadcast_in_dim3A_7 {strides = array<i32>} : memref<720xf32, #tpu.memory_space<vmem>>, vector<16xf32>,
    %swap3A_147 = arith.constant 368 : index
    %swap3A_148 = tpu.vector_load %arg8[%swap3A_147] {strides = array<i32>} : memref<720xf32, #tpu.memory_space<vmem>>, vector<16xf32>,
    tpu.vector_store %arg8[%swap3A_147], %broadcast_in_dim3A_7 {strides = array<i32>} : memref<720xf32, #tpu.memory_space<vmem>>, vector<16xf32>,
    %swap3A_149 = arith.constant 368 : index
    %swap3A_150 = tpu.vector_load %arg9[%swap3A_149] {strides = array<i32>} : memref<720xf32, #tpu.memory_space<vmem>>, vector<16xf32>,
    tpu.vector_store %arg9[%swap3A_149], %broadcast_in_dim3A_7 {strides = array<i32>} : memref<720xf32, #tpu.memory_space<vmem>>, vector<16xf32>,
    %swap3A_151 = arith.constant 384 : index
    %swap3A_152 = tpu.vector_load %arg7[%swap3A_151] {strides = array<i32>} : memref<720xf32, #tpu.memory_space<vmem>>, vector<16xf32>,
    tpu.vector_store %arg7[%swap3A_151], %broadcast_in_dim3A_7 {strides = array<i32>} : memref<720xf32, #tpu.memory_space<vmem>>, vector<16xf32>,
    %swap3A_153 = arith.constant 384 : index
    %swap3A_154 = tpu.vector_load %arg8[%swap3A_153] {strides = array<i32>} : memref<720xf32, #tpu.memory_space<vmem>>, vector<16xf32>,
    tpu.vector_store %arg8[%swap3A_153], %broadcast_in_dim3A_7 {strides = array<i32>} : memref<720xf32, #tpu.memory_space<vmem>>, vector<16xf32>,
    %swap3A_155 = arith.constant 384 : index
    %swap3A_156 = tpu.vector_load %arg9[%swap3A_155] {strides = array<i32>} : memref<720xf32, #tpu.memory_space<vmem>>, vector<16xf32>,
    tpu.vector_store %arg9[%swap3A_155], %broadcast_in_dim3A_7 {strides = array<i32>} : memref<720xf32, #tpu.memory_space<vmem>>, vector<16xf32>,
    %swap3A_157 = arith.constant 400 : index
    %swap3A_158 = tpu.vector_load %arg7[%swap3A_157] {strides = array<i32>} : memref<720xf32, #tpu.memory_space<vmem>>, vector<16xf32>,
    tpu.vector_store %arg7[%swap3A_157], %broadcast_in_dim3A_7 {strides = array<i32>} : memref<720xf32, #tpu.memory_space<vmem>>, vector<16xf32>,
    %swap3A_159 = arith.constant 400 : index
    %swap3A_160 = tpu.vector_load %arg8[%swap3A_159] {strides = array<i32>} : memref<720xf32, #tpu.memory_space<vmem>>, vector<16xf32>,
    tpu.vector_store %arg8[%swap3A_159], %broadcast_in_dim3A_7 {strides = array<i32>} : memref<720xf32, #tpu.memory_space<vmem>>, vector<16xf32>,
    %swap3A_161 = arith.constant 400 : index
    %swap3A_162 = tpu.vector_load %arg9[%swap3A_161] {strides = array<i32>} : memref<720xf32, #tpu.memory_space<vmem>>, vector<16xf32>,
    tpu.vector_store %arg9[%swap3A_161], %broadcast_in_dim3A_7 {strides = array<i32>} : memref<720xf32, #tpu.memory_space<vmem>>, vector<16xf32>,
    %swap3A_163 = arith.constant 416 : index
    %swap3A_164 = tpu.vector_load %arg7[%swap3A_163] {strides = array<i32>} : memref<720xf32, #tpu.memory_space<vmem>>, vector<16xf32>,
    tpu.vector_store %arg7[%swap3A_163], %broadcast_in_dim3A_7 {strides = array<i32>} : memref<720xf32, #tpu.memory_space<vmem>>, vector<16xf32>,
    %swap3A_165 = arith.constant 416 : index
    %swap3A_166 = tpu.vector_load %arg8[%swap3A_165] {strides = array<i32>} : memref<720xf32, #tpu.memory_space<vmem>>, vector<16xf32>,
    tpu.vector_store %arg8[%swap3A_165], %broadcast_in_dim3A_7 {strides = array<i32>} : memref<720xf32, #tpu.memory_space<vmem>>, vector<16xf32>,
    %swap3A_167 = arith.constant 416 : index
    %swap3A_168 = tpu.vector_load %arg9[%swap3A_167] {strides = array<i32>} : memref<720xf32, #tpu.memory_space<vmem>>, vector<16xf32>,
    tpu.vector_store %arg9[%swap3A_167], %broadcast_in_dim3A_7 {strides = array<i32>} : memref<720xf32, #tpu.memory_space<vmem>>, vector<16xf32>,
    %swap3A_169 = arith.constant 432 : index
    %swap3A_170 = tpu.vector_load %arg7[%swap3A_169] {strides = array<i32>} : memref<720xf32, #tpu.memory_space<vmem>>, vector<16xf32>,
    tpu.vector_store %arg7[%swap3A_169], %broadcast_in_dim3A_7 {strides = array<i32>} : memref<720xf32, #tpu.memory_space<vmem>>, vector<16xf32>,
    %swap3A_171 = arith.constant 432 : index
    %swap3A_172 = tpu.vector_load %arg8[%swap3A_171] {strides = array<i32>} : memref<720xf32, #tpu.memory_space<vmem>>, vector<16xf32>,
    tpu.vector_store %arg8[%swap3A_171], %broadcast_in_dim3A_7 {strides = array<i32>} : memref<720xf32, #tpu.memory_space<vmem>>, vector<16xf32>,
    %swap3A_173 = arith.constant 432 : index
    %swap3A_174 = tpu.vector_load %arg9[%swap3A_173] {strides = array<i32>} : memref<720xf32, #tpu.memory_space<vmem>>, vector<16xf32>,
    tpu.vector_store %arg9[%swap3A_173], %broadcast_in_dim3A_7 {strides = array<i32>} : memref<720xf32, #tpu.memory_space<vmem>>, vector<16xf32>,
    %swap3A_175 = arith.constant 448 : index
    %swap3A_176 = tpu.vector_load %arg7[%swap3A_175] {strides = array<i32>} : memref<720xf32, #tpu.memory_space<vmem>>, vector<16xf32>,
    tpu.vector_store %arg7[%swap3A_175], %broadcast_in_dim3A_7 {strides = array<i32>} : memref<720xf32, #tpu.memory_space<vmem>>, vector<16xf32>,
    %swap3A_177 = arith.constant 448 : index
    %swap3A_178 = tpu.vector_load %arg8[%swap3A_177] {strides = array<i32>} : memref<720xf32, #tpu.memory_space<vmem>>, vector<16xf32>,
    tpu.vector_store %arg8[%swap3A_177], %broadcast_in_dim3A_7 {strides = array<i32>} : memref<720xf32, #tpu.memory_space<vmem>>, vector<16xf32>,
    %swap3A_179 = arith.constant 448 : index
    %swap3A_180 = tpu.vector_load %arg9[%swap3A_179] {strides = array<i32>} : memref<720xf32, #tpu.memory_space<vmem>>, vector<16xf32>,
    tpu.vector_store %arg9[%swap3A_179], %broadcast_in_dim3A_7 {strides = array<i32>} : memref<720xf32, #tpu.memory_space<vmem>>, vector<16xf32>,
    %swap3A_181 = arith.constant 464 : index
    %swap3A_182 = tpu.vector_load %arg7[%swap3A_181] {strides = array<i32>} : memref<720xf32, #tpu.memory_space<vmem>>, vector<16xf32>,
    tpu.vector_store %arg7[%swap3A_181], %broadcast_in_dim3A_7 {strides = array<i32>} : memref<720xf32, #tpu.memory_space<vmem>>, vector<16xf32>,
    %swap3A_183 = arith.constant 464 : index
    %swap3A_184 = tpu.vector_load %arg8[%swap3A_183] {strides = array<i32>} : memref<720xf32, #tpu.memory_space<vmem>>, vector<16xf32>,
    tpu.vector_store %arg8[%swap3A_183], %broadcast_in_dim3A_7 {strides = array<i32>} : memref<720xf32, #tpu.memory_space<vmem>>, vector<16xf32>,
    %swap3A_185 = arith.constant 464 : index
    %swap3A_186 = tpu.vector_load %arg9[%swap3A_185] {strides = array<i32>} : memref<720xf32, #tpu.memory_space<vmem>>, vector<16xf32>,
    tpu.vector_store %arg9[%swap3A_185], %broadcast_in_dim3A_7 {strides = array<i32>} : memref<720xf32, #tpu.memory_space<vmem>>, vector<16xf32>,
    %swap3A_187 = arith.constant 480 : index
    %swap3A_188 = tpu.vector_load %arg7[%swap3A_187] {strides = array<i32>} : memref<720xf32, #tpu.memory_space<vmem>>, vector<16xf32>,
    tpu.vector_store %arg7[%swap3A_187], %broadcast_in_dim3A_7 {strides = array<i32>} : memref<720xf32, #tpu.memory_space<vmem>>, vector<16xf32>,
    %swap3A_189 = arith.constant 480 : index
    %swap3A_190 = tpu.vector_load %arg8[%swap3A_189] {strides = array<i32>} : memref<720xf32, #tpu.memory_space<vmem>>, vector<16xf32>,
    tpu.vector_store %arg8[%swap3A_189], %broadcast_in_dim3A_7 {strides = array<i32>} : memref<720xf32, #tpu.memory_space<vmem>>, vector<16xf32>,
    %swap3A_191 = arith.constant 480 : index
    %swap3A_192 = tpu.vector_load %arg9[%swap3A_191] {strides = array<i32>} : memref<720xf32, #tpu.memory_space<vmem>>, vector<16xf32>,
    tpu.vector_store %arg9[%swap3A_191], %broadcast_in_dim3A_7 {strides = array<i32>} : memref<720xf32, #tpu.memory_space<vmem>>, vector<16xf32>,
    %swap3A_193 = arith.constant 496 : index
    %swap3A_194 = tpu.vector_load %arg7[%swap3A_193] {strides = array<i32>} : memref<720xf32, #tpu.memory_space<vmem>>, vector<16xf32>,
    tpu.vector_store %arg7[%swap3A_193], %broadcast_in_dim3A_7 {strides = array<i32>} : memref<720xf32, #tpu.memory_space<vmem>>, vector<16xf32>,
    %swap3A_195 = arith.constant 496 : index
    %swap3A_196 = tpu.vector_load %arg8[%swap3A_195] {strides = array<i32>} : memref<720xf32, #tpu.memory_space<vmem>>, vector<16xf32>,
    tpu.vector_store %arg8[%swap3A_195], %broadcast_in_dim3A_7 {strides = array<i32>} : memref<720xf32, #tpu.memory_space<vmem>>, vector<16xf32>,
    %swap3A_197 = arith.constant 496 : index
    %swap3A_198 = tpu.vector_load %arg9[%swap3A_197] {strides = array<i32>} : memref<720xf32, #tpu.memory_space<vmem>>, vector<16xf32>,
    tpu.vector_store %arg9[%swap3A_197], %broadcast_in_dim3A_7 {strides = array<i32>} : memref<720xf32, #tpu.memory_space<vmem>>, vector<16xf32>,
    %swap3A_199 = arith.constant 512 : index
    %swap3A_200 = tpu.vector_load %arg7[%swap3A_199] {strides = array<i32>} : memref<720xf32, #tpu.memory_space<vmem>>, vector<16xf32>,
    tpu.vector_store %arg7[%swap3A_199], %broadcast_in_dim3A_7 {strides = array<i32>} : memref<720xf32, #tpu.memory_space<vmem>>, vector<16xf32>,
    %swap3A_201 = arith.constant 512 : index
    %swap3A_202 = tpu.vector_load %arg8[%swap3A_201] {strides = array<i32>} : memref<720xf32, #tpu.memory_space<vmem>>, vector<16xf32>,
    tpu.vector_store %arg8[%swap3A_201], %broadcast_in_dim3A_7 {strides = array<i32>} : memref<720xf32, #tpu.memory_space<vmem>>, vector<16xf32>,
    %swap3A_203 = arith.constant 512 : index
    %swap3A_204 = tpu.vector_load %arg9[%swap3A_203] {strides = array<i32>} : memref<720xf32, #tpu.memory_space<vmem>>, vector<16xf32>,
    tpu.vector_store %arg9[%swap3A_203], %broadcast_in_dim3A_7 {strides = array<i32>} : memref<720xf32, #tpu.memory_space<vmem>>, vector<16xf32>,
    %swap3A_205 = arith.constant 528 : index
    %swap3A_206 = tpu.vector_load %arg7[%swap3A_205] {strides = array<i32>} : memref<720xf32, #tpu.memory_space<vmem>>, vector<16xf32>,
    tpu.vector_store %arg7[%swap3A_205], %broadcast_in_dim3A_7 {strides = array<i32>} : memref<720xf32, #tpu.memory_space<vmem>>, vector<16xf32>,
    %swap3A_207 = arith.constant 528 : index
    %swap3A_208 = tpu.vector_load %arg8[%swap3A_207] {strides = array<i32>} : memref<720xf32, #tpu.memory_space<vmem>>, vector<16xf32>,
    tpu.vector_store %arg8[%swap3A_207], %broadcast_in_dim3A_7 {strides = array<i32>} : memref<720xf32, #tpu.memory_space<vmem>>, vector<16xf32>,
    %swap3A_209 = arith.constant 528 : index
    %swap3A_210 = tpu.vector_load %arg9[%swap3A_209] {strides = array<i32>} : memref<720xf32, #tpu.memory_space<vmem>>, vector<16xf32>,
    tpu.vector_store %arg9[%swap3A_209], %broadcast_in_dim3A_7 {strides = array<i32>} : memref<720xf32, #tpu.memory_space<vmem>>, vector<16xf32>,
    %swap3A_211 = arith.constant 544 : index
    %swap3A_212 = tpu.vector_load %arg7[%swap3A_211] {strides = array<i32>} : memref<720xf32, #tpu.memory_space<vmem>>, vector<16xf32>,
    tpu.vector_store %arg7[%swap3A_211], %broadcast_in_dim3A_7 {strides = array<i32>} : memref<720xf32, #tpu.memory_space<vmem>>, vector<16xf32>,
    %swap3A_213 = arith.constant 544 : index
    %swap3A_214 = tpu.vector_load %arg8[%swap3A_213] {strides = array<i32>} : memref<720xf32, #tpu.memory_space<vmem>>, vector<16xf32>,
    tpu.vector_store %arg8[%swap3A_213], %broadcast_in_dim3A_7 {strides = array<i32>} : memref<720xf32, #tpu.memory_space<vmem>>, vector<16xf32>,
    %swap3A_215 = arith.constant 544 : index
    %swap3A_216 = tpu.vector_load %arg9[%swap3A_215] {strides = array<i32>} : memref<720xf32, #tpu.memory_space<vmem>>, vector<16xf32>,
    tpu.vector_store %arg9[%swap3A_215], %broadcast_in_dim3A_7 {strides = array<i32>} : memref<720xf32, #tpu.memory_space<vmem>>, vector<16xf32>,
    %swap3A_217 = arith.constant 560 : index
    %swap3A_218 = tpu.vector_load %arg7[%swap3A_217] {strides = array<i32>} : memref<720xf32, #tpu.memory_space<vmem>>, vector<16xf32>,
    tpu.vector_store %arg7[%swap3A_217], %broadcast_in_dim3A_7 {strides = array<i32>} : memref<720xf32, #tpu.memory_space<vmem>>, vector<16xf32>,
    %swap3A_219 = arith.constant 560 : index
    %swap3A_220 = tpu.vector_load %arg8[%swap3A_219] {strides = array<i32>} : memref<720xf32, #tpu.memory_space<vmem>>, vector<16xf32>,
    tpu.vector_store %arg8[%swap3A_219], %broadcast_in_dim3A_7 {strides = array<i32>} : memref<720xf32, #tpu.memory_space<vmem>>, vector<16xf32>,
    %swap3A_221 = arith.constant 560 : index
    %swap3A_222 = tpu.vector_load %arg9[%swap3A_221] {strides = array<i32>} : memref<720xf32, #tpu.memory_space<vmem>>, vector<16xf32>,
    tpu.vector_store %arg9[%swap3A_221], %broadcast_in_dim3A_7 {strides = array<i32>} : memref<720xf32, #tpu.memory_space<vmem>>, vector<16xf32>,
    %swap3A_223 = arith.constant 576 : index
    %swap3A_224 = tpu.vector_load %arg7[%swap3A_223] {strides = array<i32>} : memref<720xf32, #tpu.memory_space<vmem>>, vector<16xf32>,
    tpu.vector_store %arg7[%swap3A_223], %broadcast_in_dim3A_7 {strides = array<i32>} : memref<720xf32, #tpu.memory_space<vmem>>, vector<16xf32>,
    %swap3A_225 = arith.constant 576 : index
    %swap3A_226 = tpu.vector_load %arg8[%swap3A_225] {strides = array<i32>} : memref<720xf32, #tpu.memory_space<vmem>>, vector<16xf32>,
    tpu.vector_store %arg8[%swap3A_225], %broadcast_in_dim3A_7 {strides = array<i32>} : memref<720xf32, #tpu.memory_space<vmem>>, vector<16xf32>,
    %swap3A_227 = arith.constant 576 : index
    %swap3A_228 = tpu.vector_load %arg9[%swap3A_227] {strides = array<i32>} : memref<720xf32, #tpu.memory_space<vmem>>, vector<16xf32>,
    tpu.vector_store %arg9[%swap3A_227], %broadcast_in_dim3A_7 {strides = array<i32>} : memref<720xf32, #tpu.memory_space<vmem>>, vector<16xf32>,
    %swap3A_229 = arith.constant 592 : index
    %swap3A_230 = tpu.vector_load %arg7[%swap3A_229] {strides = array<i32>} : memref<720xf32, #tpu.memory_space<vmem>>, vector<16xf32>,
    tpu.vector_store %arg7[%swap3A_229], %broadcast_in_dim3A_7 {strides = array<i32>} : memref<720xf32, #tpu.memory_space<vmem>>, vector<16xf32>,
    %swap3A_231 = arith.constant 592 : index
    %swap3A_232 = tpu.vector_load %arg8[%swap3A_231] {strides = array<i32>} : memref<720xf32, #tpu.memory_space<vmem>>, vector<16xf32>,
    tpu.vector_store %arg8[%swap3A_231], %broadcast_in_dim3A_7 {strides = array<i32>} : memref<720xf32, #tpu.memory_space<vmem>>, vector<16xf32>,
    %swap3A_233 = arith.constant 592 : index
    %swap3A_234 = tpu.vector_load %arg9[%swap3A_233] {strides = array<i32>} : memref<720xf32, #tpu.memory_space<vmem>>, vector<16xf32>,
    tpu.vector_store %arg9[%swap3A_233], %broadcast_in_dim3A_7 {strides = array<i32>} : memref<720xf32, #tpu.memory_space<vmem>>, vector<16xf32>,
    %swap3A_235 = arith.constant 608 : index
    %swap3A_236 = tpu.vector_load %arg7[%swap3A_235] {strides = array<i32>} : memref<720xf32, #tpu.memory_space<vmem>>, vector<16xf32>,
    tpu.vector_store %arg7[%swap3A_235], %broadcast_in_dim3A_7 {strides = array<i32>} : memref<720xf32, #tpu.memory_space<vmem>>, vector<16xf32>,
    %swap3A_237 = arith.constant 608 : index
    %swap3A_238 = tpu.vector_load %arg8[%swap3A_237] {strides = array<i32>} : memref<720xf32, #tpu.memory_space<vmem>>, vector<16xf32>,
    tpu.vector_store %arg8[%swap3A_237], %broadcast_in_dim3A_7 {strides = array<i32>} : memref<720xf32, #tpu.memory_space<vmem>>, vector<16xf32>,
    %swap3A_239 = arith.constant 608 : index
    %swap3A_240 = tpu.vector_load %arg9[%swap3A_239] {strides = array<i32>} : memref<720xf32, #tpu.memory_space<vmem>>, vector<16xf32>,
    tpu.vector_store %arg9[%swap3A_239], %broadcast_in_dim3A_7 {strides = array<i32>} : memref<720xf32, #tpu.memory_space<vmem>>, vector<16xf32>,
    %swap3A_241 = arith.constant 624 : index
    %swap3A_242 = tpu.vector_load %arg7[%swap3A_241] {strides = array<i32>} : memref<720xf32, #tpu.memory_space<vmem>>, vector<16xf32>,
    tpu.vector_store %arg7[%swap3A_241], %broadcast_in_dim3A_7 {strides = array<i32>} : memref<720xf32, #tpu.memory_space<vmem>>, vector<16xf32>,
    %swap3A_243 = arith.constant 624 : index
    %swap3A_244 = tpu.vector_load %arg8[%swap3A_243] {strides = array<i32>} : memref<720xf32, #tpu.memory_space<vmem>>, vector<16xf32>,
    tpu.vector_store %arg8[%swap3A_243], %broadcast_in_dim3A_7 {strides = array<i32>} : memref<720xf32, #tpu.memory_space<vmem>>, vector<16xf32>,
    %swap3A_245 = arith.constant 624 : index
    %swap3A_246 = tpu.vector_load %arg9[%swap3A_245] {strides = array<i32>} : memref<720xf32, #tpu.memory_space<vmem>>, vector<16xf32>,
    tpu.vector_store %arg9[%swap3A_245], %broadcast_in_dim3A_7 {strides = array<i32>} : memref<720xf32, #tpu.memory_space<vmem>>, vector<16xf32>,
    %swap3A_247 = arith.constant 640 : index
    %swap3A_248 = tpu.vector_load %arg7[%swap3A_247] {strides = array<i32>} : memref<720xf32, #tpu.memory_space<vmem>>, vector<16xf32>,
    tpu.vector_store %arg7[%swap3A_247], %broadcast_in_dim3A_7 {strides = array<i32>} : memref<720xf32, #tpu.memory_space<vmem>>, vector<16xf32>,
    %swap3A_249 = arith.constant 640 : index
    %swap3A_250 = tpu.vector_load %arg8[%swap3A_249] {strides = array<i32>} : memref<720xf32, #tpu.memory_space<vmem>>, vector<16xf32>,
    tpu.vector_store %arg8[%swap3A_249], %broadcast_in_dim3A_7 {strides = array<i32>} : memref<720xf32, #tpu.memory_space<vmem>>, vector<16xf32>,
    %swap3A_251 = arith.constant 640 : index
    %swap3A_252 = tpu.vector_load %arg9[%swap3A_251] {strides = array<i32>} : memref<720xf32, #tpu.memory_space<vmem>>, vector<16xf32>,
    tpu.vector_store %arg9[%swap3A_251], %broadcast_in_dim3A_7 {strides = array<i32>} : memref<720xf32, #tpu.memory_space<vmem>>, vector<16xf32>,
    %swap3A_253 = arith.constant 656 : index
    %swap3A_254 = tpu.vector_load %arg7[%swap3A_253] {strides = array<i32>} : memref<720xf32, #tpu.memory_space<vmem>>, vector<16xf32>,
    tpu.vector_store %arg7[%swap3A_253], %broadcast_in_dim3A_7 {strides = array<i32>} : memref<720xf32, #tpu.memory_space<vmem>>, vector<16xf32>,
    %swap3A_255 = arith.constant 656 : index
    %swap3A_256 = tpu.vector_load %arg8[%swap3A_255] {strides = array<i32>} : memref<720xf32, #tpu.memory_space<vmem>>, vector<16xf32>,
    tpu.vector_store %arg8[%swap3A_255], %broadcast_in_dim3A_7 {strides = array<i32>} : memref<720xf32, #tpu.memory_space<vmem>>, vector<16xf32>,
    %swap3A_257 = arith.constant 656 : index
    %swap3A_258 = tpu.vector_load %arg9[%swap3A_257] {strides = array<i32>} : memref<720xf32, #tpu.memory_space<vmem>>, vector<16xf32>,
    tpu.vector_store %arg9[%swap3A_257], %broadcast_in_dim3A_7 {strides = array<i32>} : memref<720xf32, #tpu.memory_space<vmem>>, vector<16xf32>,
    %swap3A_259 = arith.constant 672 : index
    %swap3A_260 = tpu.vector_load %arg7[%swap3A_259] {strides = array<i32>} : memref<720xf32, #tpu.memory_space<vmem>>, vector<16xf32>,
    tpu.vector_store %arg7[%swap3A_259], %broadcast_in_dim3A_7 {strides = array<i32>} : memref<720xf32, #tpu.memory_space<vmem>>, vector<16xf32>,
    %swap3A_261 = arith.constant 672 : index
    %swap3A_262 = tpu.vector_load %arg8[%swap3A_261] {strides = array<i32>} : memref<720xf32, #tpu.memory_space<vmem>>, vector<16xf32>,
    tpu.vector_store %arg8[%swap3A_261], %broadcast_in_dim3A_7 {strides = array<i32>} : memref<720xf32, #tpu.memory_space<vmem>>, vector<16xf32>,
    %swap3A_263 = arith.constant 672 : index
    %swap3A_264 = tpu.vector_load %arg9[%swap3A_263] {strides = array<i32>} : memref<720xf32, #tpu.memory_space<vmem>>, vector<16xf32>,
    tpu.vector_store %arg9[%swap3A_263], %broadcast_in_dim3A_7 {strides = array<i32>} : memref<720xf32, #tpu.memory_space<vmem>>, vector<16xf32>,
    %swap3A_265 = arith.constant 688 : index
    %swap3A_266 = tpu.vector_load %arg7[%swap3A_265] {strides = array<i32>} : memref<720xf32, #tpu.memory_space<vmem>>, vector<16xf32>,
    tpu.vector_store %arg7[%swap3A_265], %broadcast_in_dim3A_7 {strides = array<i32>} : memref<720xf32, #tpu.memory_space<vmem>>, vector<16xf32>,
    %swap3A_267 = arith.constant 688 : index
    %swap3A_268 = tpu.vector_load %arg8[%swap3A_267] {strides = array<i32>} : memref<720xf32, #tpu.memory_space<vmem>>, vector<16xf32>,
    tpu.vector_store %arg8[%swap3A_267], %broadcast_in_dim3A_7 {strides = array<i32>} : memref<720xf32, #tpu.memory_space<vmem>>, vector<16xf32>,
    %swap3A_269 = arith.constant 688 : index
    %swap3A_270 = tpu.vector_load %arg9[%swap3A_269] {strides = array<i32>} : memref<720xf32, #tpu.memory_space<vmem>>, vector<16xf32>,
    tpu.vector_store %arg9[%swap3A_269], %broadcast_in_dim3A_7 {strides = array<i32>} : memref<720xf32, #tpu.memory_space<vmem>>, vector<16xf32>,
    %swap3A_271 = arith.constant 704 : index
    %swap3A_272 = tpu.vector_load %arg7[%swap3A_271] {strides = array<i32>} : memref<720xf32, #tpu.memory_space<vmem>>, vector<16xf32>,
    tpu.vector_store %arg7[%swap3A_271], %broadcast_in_dim3A_7 {strides = array<i32>} : memref<720xf32, #tpu.memory_space<vmem>>, vector<16xf32>,
    %swap3A_273 = arith.constant 704 : index
    %swap3A_274 = tpu.vector_load %arg8[%swap3A_273] {strides = array<i32>} : memref<720xf32, #tpu.memory_space<vmem>>, vector<16xf32>,
    tpu.vector_store %arg8[%swap3A_273], %broadcast_in_dim3A_7 {strides = array<i32>} : memref<720xf32, #tpu.memory_space<vmem>>, vector<16xf32>,
    %swap3A_275 = arith.constant 704 : index
    %swap3A_276 = tpu.vector_load %arg9[%swap3A_275] {strides = array<i32>} : memref<720xf32, #tpu.memory_space<vmem>>, vector<16xf32>,
    tpu.vector_store %arg9[%swap3A_275], %broadcast_in_dim3A_7 {strides = array<i32>} : memref<720xf32, #tpu.memory_space<vmem>>, vector<16xf32>,
    "tpu.region"() ({
      %run_scoped3A = tpu.sem_alloc : memref<!tpu.dma_semaphore, #tpu.memory_space<semaphore_mem>>
      %dma_start3A = arith.constant 0 : i32
      %dma_start3A_298 = tpu.memref_slice %arg5[%dma_start3A] : memref<31264xf32, #tpu.memory_space<vmem>> -> memref<31248xf32, #tpu.memory_space<vmem>>
      %dma_start3A_299 = tpu.memref_slice %arg2[%mul3A_6] : memref<1000000xf32, #tpu.memory_space<hbm>> -> memref<31248xf32, #tpu.memory_space<hbm>>
      %dma_start3A_300 = arith.constant 0 : i32
      %dma_start3A_301 = tpu.memref_slice %arg5[%dma_start3A_300] : memref<31264xf32, #tpu.memory_space<vmem>> -> memref<31248xf32, #tpu.memory_space<vmem>>
      %dma_start3A_302 = tpu.memref_slice %arg2[%mul3A_6] : memref<1000000xf32, #tpu.memory_space<hbm>> -> memref<31248xf32, #tpu.memory_space<hbm>>
      tpu.enqueue_dma source(%dma_start3A_302 : memref<31248xf32, #tpu.memory_space<hbm>>) target(%dma_start3A_301 : memref<31248xf32, #tpu.memory_space<vmem>>) target_semaphore(%run_scoped3A : memref<!tpu.dma_semaphore, #tpu.memory_space<semaphore_mem>>)
      %dma_wait3A = arith.constant 0 : i32
      %dma_wait3A_303 = tpu.memref_slice %arg5[%dma_wait3A] : memref<31264xf32, #tpu.memory_space<vmem>> -> memref<31248xf32, #tpu.memory_space<vmem>>
      %dma_wait3A_304 = tpu.memref_slice %arg2[%mul3A_6] : memref<1000000xf32, #tpu.memory_space<hbm>> -> memref<31248xf32, #tpu.memory_space<hbm>>
      %dma_wait3A_305 = arith.constant 0 : i32
      %dma_wait3A_306 = tpu.memref_slice %arg5[%dma_wait3A_305] : memref<31264xf32, #tpu.memory_space<vmem>> -> memref<31248xf32, #tpu.memory_space<vmem>>
      %dma_wait3A_307 = tpu.memref_slice %arg2[%mul3A_6] : memref<1000000xf32, #tpu.memory_space<hbm>> -> memref<31248xf32, #tpu.memory_space<hbm>>
      tpu.wait_dma2 semaphore(%run_scoped3A : memref<!tpu.dma_semaphore, #tpu.memory_space<semaphore_mem>>) src(%dma_wait3A_307 : memref<31248xf32, #tpu.memory_space<hbm>>) dst(%dma_wait3A_306 : memref<31248xf32, #tpu.memory_space<vmem>>)
      tpu.yield
    }) : () -> ()
    %lt3A = arith.constant 4 : i32
    %lt3A_277 = arith.cmpi slt, %add3A, %lt3A : i32
    %convert_element_type3A = arith.extui %lt3A_277 : i1 to i32
    %cond3A = arith.constant 0 : i32
    %cond3A_278 = arith.cmpi ne, %convert_element_type3A, %cond3A : i32
    scf.if %cond3A_278 {
      %add3A_298 = arith.constant 31248 : i32
      %add3A_299 = arith.addi %mul3A_6, %add3A_298 : i32
      "tpu.region"() ({
        %run_scoped3A = tpu.sem_alloc : memref<!tpu.dma_semaphore, #tpu.memory_space<semaphore_mem>>
        %dma_start3A = arith.constant 31248 : i32
        %dma_start3A_300 = tpu.memref_slice %arg5[%dma_start3A] : memref<31264xf32, #tpu.memory_space<vmem>> -> memref<16xf32, #tpu.memory_space<vmem>>
        %dma_start3A_301 = tpu.memref_slice %arg2[%add3A_299] : memref<1000000xf32, #tpu.memory_space<hbm>> -> memref<16xf32, #tpu.memory_space<hbm>>
        %dma_start3A_302 = arith.constant 31248 : i32
        %dma_start3A_303 = tpu.memref_slice %arg5[%dma_start3A_302] : memref<31264xf32, #tpu.memory_space<vmem>> -> memref<16xf32, #tpu.memory_space<vmem>>
        %dma_start3A_304 = tpu.memref_slice %arg2[%add3A_299] : memref<1000000xf32, #tpu.memory_space<hbm>> -> memref<16xf32, #tpu.memory_space<hbm>>
        tpu.enqueue_dma source(%dma_start3A_304 : memref<16xf32, #tpu.memory_space<hbm>>) target(%dma_start3A_303 : memref<16xf32, #tpu.memory_space<vmem>>) target_semaphore(%run_scoped3A : memref<!tpu.dma_semaphore, #tpu.memory_space<semaphore_mem>>)
        %dma_wait3A = arith.constant 31248 : i32
        %dma_wait3A_305 = tpu.memref_slice %arg5[%dma_wait3A] : memref<31264xf32, #tpu.memory_space<vmem>> -> memref<16xf32, #tpu.memory_space<vmem>>
        %dma_wait3A_306 = tpu.memref_slice %arg2[%add3A_299] : memref<1000000xf32, #tpu.memory_space<hbm>> -> memref<16xf32, #tpu.memory_space<hbm>>
        %dma_wait3A_307 = arith.constant 31248 : i32
        %dma_wait3A_308 = tpu.memref_slice %arg5[%dma_wait3A_307] : memref<31264xf32, #tpu.memory_space<vmem>> -> memref<16xf32, #tpu.memory_space<vmem>>
        %dma_wait3A_309 = tpu.memref_slice %arg2[%add3A_299] : memref<1000000xf32, #tpu.memory_space<hbm>> -> memref<16xf32, #tpu.memory_space<hbm>>
        tpu.wait_dma2 semaphore(%run_scoped3A : memref<!tpu.dma_semaphore, #tpu.memory_space<semaphore_mem>>) src(%dma_wait3A_309 : memref<16xf32, #tpu.memory_space<hbm>>) dst(%dma_wait3A_308 : memref<16xf32, #tpu.memory_space<vmem>>)
        tpu.yield
      }) : () -> ()
    } else {
    }
    %iota3A = tpu.iota {dimensions = array<i32: 0>} : vector<16xi32>
    %broadcast_in_dim3A_279 = arith.constant 1.000000e+00 : f32
    %broadcast_in_dim3A_280 = vector.broadcast %broadcast_in_dim3A_279 : f32 to vector<16xf32>
    %parallel_loop3A = arith.constant 0 : i32
    %parallel_loop3A_281 = arith.constant 1953 : i32
    %parallel_loop3A_282 = arith.constant 1 : i32
    scf.for %parallel_loop3A_298 = %parallel_loop3A to %parallel_loop3A_281 step %parallel_loop3A_282  : i32 {
      %parallel_loop3A_299 = arith.constant 16 : i32
      %parallel_loop3A_300 = arith.muli %parallel_loop3A_298, %parallel_loop3A_299 : i32
      %parallel_loop3A_301 = arith.constant 3 : i32
      %parallel_loop3A_302 = arith.constant 0 : i32
      %parallel_loop3A_303 = arith.cmpi eq, %parallel_loop3A_301, %parallel_loop3A_302 : i32
      %parallel_loop3A_304 = arith.constant 1 : i32
      %parallel_loop3A_305 = arith.select %parallel_loop3A_303, %parallel_loop3A_304, %parallel_loop3A_301 : i32
      %parallel_loop3A_306 = arith.remsi %parallel_loop3A_298, %parallel_loop3A_305 : i32
      %parallel_loop3A_307 = arith.constant 0 : i32
      %parallel_loop3A_308 = arith.cmpi ne, %parallel_loop3A_306, %parallel_loop3A_307 : i32
      %parallel_loop3A_309 = arith.constant 0 : i32
      %parallel_loop3A_310 = arith.cmpi slt, %parallel_loop3A_306, %parallel_loop3A_309 : i32
      %parallel_loop3A_311 = arith.constant 0 : i32
      %parallel_loop3A_312 = arith.cmpi slt, %parallel_loop3A_305, %parallel_loop3A_311 : i32
      %parallel_loop3A_313 = arith.xori %parallel_loop3A_310, %parallel_loop3A_312 : i1
      %parallel_loop3A_314 = arith.andi %parallel_loop3A_313, %parallel_loop3A_308 : i1
      %parallel_loop3A_315 = arith.addi %parallel_loop3A_306, %parallel_loop3A_305 : i32
      %parallel_loop3A_316 = arith.select %parallel_loop3A_314, %parallel_loop3A_315, %parallel_loop3A_306 : i32
      %parallel_loop3A_317 = arith.index_cast %parallel_loop3A_300 : i32 to index
      %parallel_loop3A_318 = tpu.vector_load %arg5[%parallel_loop3A_317] {strides = array<i32>} : memref<31264xf32, #tpu.memory_space<vmem>>, vector<16xf32>,
      %parallel_loop3A_319 = math.absf %parallel_loop3A_318 : vector<16xf32>
      %parallel_loop3A_320 = arith.constant 0.000000e+00 : f32
      %parallel_loop3A_321 = vector.broadcast %parallel_loop3A_320 : f32 to vector<16xf32>
      %parallel_loop3A_322 = arith.cmpf ogt, %parallel_loop3A_318, %parallel_loop3A_321 : vector<16xf32>
      %parallel_loop3A_323 = arith.select %parallel_loop3A_322, %broadcast_in_dim3A_280, %broadcast_in_dim3A_7 : vector<16xi1>, vector<16xf32>
      %parallel_loop3A_324 = arith.constant 1.500000e+01 : f32
      %parallel_loop3A_325 = vector.broadcast %parallel_loop3A_324 : f32 to vector<16xf32>
      %parallel_loop3A_326 = arith.mulf %parallel_loop3A_319, %parallel_loop3A_325 : vector<16xf32>
      %parallel_loop3A_327 = arith.fptosi %parallel_loop3A_326 : vector<16xf32> to vector<16xi32>
      %parallel_loop3A_328 = arith.constant 14 : i32
      %parallel_loop3A_329 = vector.broadcast %parallel_loop3A_328 : i32 to vector<16xi32>
      %parallel_loop3A_330 = arith.minsi %parallel_loop3A_327, %parallel_loop3A_329 : vector<16xi32>
      %parallel_loop3A_331 = tpu.vector_load_idx %arg6[%parallel_loop3A_330] : memref<16xf32, #tpu.memory_space<vmem>>[vector<16xi32>], vector<16xf32>,
      %parallel_loop3A_332 = arith.cmpf ole, %parallel_loop3A_319, %parallel_loop3A_331 : vector<16xf32>
      %parallel_loop3A_333 = arith.constant 1 : i32
      %parallel_loop3A_334 = vector.broadcast %parallel_loop3A_333 : i32 to vector<16xi32>
      %parallel_loop3A_335 = arith.subi %parallel_loop3A_330, %parallel_loop3A_334 : vector<16xi32>
      %parallel_loop3A_336 = arith.select %parallel_loop3A_332, %parallel_loop3A_335, %parallel_loop3A_330 : vector<16xi1>, vector<16xi32>
      %parallel_loop3A_337 = arith.constant 1 : i32
      %parallel_loop3A_338 = vector.broadcast %parallel_loop3A_337 : i32 to vector<16xi32>
      %parallel_loop3A_339 = arith.addi %parallel_loop3A_336, %parallel_loop3A_338 : vector<16xi32>
      %parallel_loop3A_340 = tpu.vector_load_idx %arg6[%parallel_loop3A_339] : memref<16xf32, #tpu.memory_space<vmem>>[vector<16xi32>], vector<16xf32>,
      %parallel_loop3A_341 = arith.cmpf ogt, %parallel_loop3A_319, %parallel_loop3A_340 : vector<16xf32>
      %parallel_loop3A_342 = arith.constant 1 : i32
      %parallel_loop3A_343 = vector.broadcast %parallel_loop3A_342 : i32 to vector<16xi32>
      %parallel_loop3A_344 = arith.addi %parallel_loop3A_336, %parallel_loop3A_343 : vector<16xi32>
      %parallel_loop3A_345 = arith.select %parallel_loop3A_341, %parallel_loop3A_344, %parallel_loop3A_336 : vector<16xi1>, vector<16xi32>
      %parallel_loop3A_346 = arith.constant 16 : i32
      %parallel_loop3A_347 = vector.broadcast %parallel_loop3A_346 : i32 to vector<16xi32>
      %parallel_loop3A_348 = arith.muli %parallel_loop3A_345, %parallel_loop3A_347 : vector<16xi32>
      %parallel_loop3A_349 = arith.addi %parallel_loop3A_348, %iota3A : vector<16xi32>
      %parallel_loop3A_350 = arith.constant 240 : i32
      %parallel_loop3A_351 = arith.muli %parallel_loop3A_316, %parallel_loop3A_350 : i32
      %parallel_loop3A_352 = vector.broadcast %parallel_loop3A_351 : i32 to vector<16xi32>
      %parallel_loop3A_353 = arith.addi %parallel_loop3A_349, %parallel_loop3A_352 : vector<16xi32>
      tpu.vector_store_idx %arg7[%parallel_loop3A_353], %broadcast_in_dim3A_280 {add = true} : memref<720xf32, #tpu.memory_space<vmem>>[vector<16xi32>], vector<16xf32>,
      tpu.vector_store_idx %arg8[%parallel_loop3A_353], %parallel_loop3A_319 {add = true} : memref<720xf32, #tpu.memory_space<vmem>>[vector<16xi32>], vector<16xf32>,
      tpu.vector_store_idx %arg9[%parallel_loop3A_353], %parallel_loop3A_323 {add = true} : memref<720xf32, #tpu.memory_space<vmem>>[vector<16xi32>], vector<16xf32>,
    } {sc.loop_unroll_factor = 9 : i64, sc.parallel_access}
    %lt3A_283 = arith.constant 4 : i32
    %lt3A_284 = arith.cmpi slt, %add3A, %lt3A_283 : i32
    %convert_element_type3A_285 = arith.extui %lt3A_284 : i1 to i32
    %cond3A_286 = arith.constant 0 : i32
    %cond3A_287 = arith.cmpi ne, %convert_element_type3A_285, %cond3A_286 : i32
    scf.if %cond3A_287 {
      %get3A = arith.constant 31248 : index
      %get3A_298 = tpu.vector_load %arg5[%get3A] {strides = array<i32>} : memref<31264xf32, #tpu.memory_space<vmem>>, vector<16xf32>,
      %abs3A = math.absf %get3A_298 : vector<16xf32>
      %gt3A = arith.constant 0.000000e+00 : f32
      %gt3A_299 = vector.broadcast %gt3A : f32 to vector<16xf32>
      %gt3A_300 = arith.cmpf ogt, %get3A_298, %gt3A_299 : vector<16xf32>
      %select_n3A = arith.select %gt3A_300, %broadcast_in_dim3A_280, %broadcast_in_dim3A_7 : vector<16xi1>, vector<16xf32>
      %mul3A_301 = arith.constant 1.500000e+01 : f32
      %mul3A_302 = vector.broadcast %mul3A_301 : f32 to vector<16xf32>
      %mul3A_303 = arith.mulf %abs3A, %mul3A_302 : vector<16xf32>
      %convert_element_type3A_304 = arith.fptosi %mul3A_303 : vector<16xf32> to vector<16xi32>
      %min3A_305 = arith.constant 14 : i32
      %min3A_306 = vector.broadcast %min3A_305 : i32 to vector<16xi32>
      %min3A_307 = arith.minsi %convert_element_type3A_304, %min3A_306 : vector<16xi32>
      %gather3A = tpu.vector_load_idx %arg6[%min3A_307] : memref<16xf32, #tpu.memory_space<vmem>>[vector<16xi32>], vector<16xf32>,
      %le3A = arith.cmpf ole, %abs3A, %gather3A : vector<16xf32>
      %sub3A = arith.constant 1 : i32
      %sub3A_308 = vector.broadcast %sub3A : i32 to vector<16xi32>
      %sub3A_309 = arith.subi %min3A_307, %sub3A_308 : vector<16xi32>
      %select_n3A_310 = arith.select %le3A, %sub3A_309, %min3A_307 : vector<16xi1>, vector<16xi32>
      %add3A_311 = arith.constant 1 : i32
      %add3A_312 = vector.broadcast %add3A_311 : i32 to vector<16xi32>
      %add3A_313 = arith.addi %select_n3A_310, %add3A_312 : vector<16xi32>
      %gather3A_314 = tpu.vector_load_idx %arg6[%add3A_313] : memref<16xf32, #tpu.memory_space<vmem>>[vector<16xi32>], vector<16xf32>,
      %gt3A_315 = arith.cmpf ogt, %abs3A, %gather3A_314 : vector<16xf32>
      %add3A_316 = arith.constant 1 : i32
      %add3A_317 = vector.broadcast %add3A_316 : i32 to vector<16xi32>
      %add3A_318 = arith.addi %select_n3A_310, %add3A_317 : vector<16xi32>
      %select_n3A_319 = arith.select %gt3A_315, %add3A_318, %select_n3A_310 : vector<16xi1>, vector<16xi32>
      %mul3A_320 = arith.constant 16 : i32
      %mul3A_321 = vector.broadcast %mul3A_320 : i32 to vector<16xi32>
      %mul3A_322 = arith.muli %select_n3A_319, %mul3A_321 : vector<16xi32>
      %add3A_323 = arith.addi %mul3A_322, %iota3A : vector<16xi32>
      %mul3A_324 = arith.constant 0 : i32
      %mul3A_325 = arith.constant 240 : i32
      %mul3A_326 = arith.muli %mul3A_324, %mul3A_325 : i32
      %add3A_327 = vector.broadcast %mul3A_326 : i32 to vector<16xi32>
      %add3A_328 = arith.addi %add3A_323, %add3A_327 : vector<16xi32>
      tpu.vector_store_idx %arg7[%add3A_328], %broadcast_in_dim3A_280 {add = true} : memref<720xf32, #tpu.memory_space<vmem>>[vector<16xi32>], vector<16xf32>,
      tpu.vector_store_idx %arg8[%add3A_328], %abs3A {add = true} : memref<720xf32, #tpu.memory_space<vmem>>[vector<16xi32>], vector<16xf32>,
      tpu.vector_store_idx %arg9[%add3A_328], %select_n3A {add = true} : memref<720xf32, #tpu.memory_space<vmem>>[vector<16xi32>], vector<16xf32>,
    } else {
    }
    %mul3A_288 = arith.constant 2160 : i32
    %mul3A_289 = arith.muli %add3A, %mul3A_288 : i32
    "tpu.region"() ({
      %run_scoped3A = tpu.sem_alloc : memref<!tpu.dma_semaphore, #tpu.memory_space<semaphore_mem>>
      %dma_start3A = tpu.memref_slice %arg4[%mul3A_289] : memref<69120xf32, #tpu.memory_space<hbm>> -> memref<720xf32, #tpu.memory_space<hbm>>
      %dma_start3A_298 = tpu.memref_slice %arg4[%mul3A_289] : memref<69120xf32, #tpu.memory_space<hbm>> -> memref<720xf32, #tpu.memory_space<hbm>>
      tpu.enqueue_dma source(%arg7 : memref<720xf32, #tpu.memory_space<vmem>>) target(%dma_start3A_298 : memref<720xf32, #tpu.memory_space<hbm>>) target_semaphore(%run_scoped3A : memref<!tpu.dma_semaphore, #tpu.memory_space<semaphore_mem>>)
      %dma_wait3A = tpu.memref_slice %arg4[%mul3A_289] : memref<69120xf32, #tpu.memory_space<hbm>> -> memref<720xf32, #tpu.memory_space<hbm>>
      %dma_wait3A_299 = tpu.memref_slice %arg4[%mul3A_289] : memref<69120xf32, #tpu.memory_space<hbm>> -> memref<720xf32, #tpu.memory_space<hbm>>
      tpu.wait_dma2 semaphore(%run_scoped3A : memref<!tpu.dma_semaphore, #tpu.memory_space<semaphore_mem>>) src(%arg7 : memref<720xf32, #tpu.memory_space<vmem>>) dst(%dma_wait3A_299 : memref<720xf32, #tpu.memory_space<hbm>>)
      tpu.yield
    }) : () -> ()
    %mul3A_290 = arith.constant 2160 : i32
    %mul3A_291 = arith.muli %add3A, %mul3A_290 : i32
    %add3A_292 = arith.constant 720 : i32
    %add3A_293 = arith.addi %mul3A_291, %add3A_292 : i32
    "tpu.region"() ({
      %run_scoped3A = tpu.sem_alloc : memref<!tpu.dma_semaphore, #tpu.memory_space<semaphore_mem>>
      %dma_start3A = tpu.memref_slice %arg4[%add3A_293] : memref<69120xf32, #tpu.memory_space<hbm>> -> memref<720xf32, #tpu.memory_space<hbm>>
      %dma_start3A_298 = tpu.memref_slice %arg4[%add3A_293] : memref<69120xf32, #tpu.memory_space<hbm>> -> memref<720xf32, #tpu.memory_space<hbm>>
      tpu.enqueue_dma source(%arg8 : memref<720xf32, #tpu.memory_space<vmem>>) target(%dma_start3A_298 : memref<720xf32, #tpu.memory_space<hbm>>) target_semaphore(%run_scoped3A : memref<!tpu.dma_semaphore, #tpu.memory_space<semaphore_mem>>)
      %dma_wait3A = tpu.memref_slice %arg4[%add3A_293] : memref<69120xf32, #tpu.memory_space<hbm>> -> memref<720xf32, #tpu.memory_space<hbm>>
      %dma_wait3A_299 = tpu.memref_slice %arg4[%add3A_293] : memref<69120xf32, #tpu.memory_space<hbm>> -> memref<720xf32, #tpu.memory_space<hbm>>
      tpu.wait_dma2 semaphore(%run_scoped3A : memref<!tpu.dma_semaphore, #tpu.memory_space<semaphore_mem>>) src(%arg8 : memref<720xf32, #tpu.memory_space<vmem>>) dst(%dma_wait3A_299 : memref<720xf32, #tpu.memory_space<hbm>>)
      tpu.yield
    }) : () -> ()
    %mul3A_294 = arith.constant 2160 : i32
    %mul3A_295 = arith.muli %add3A, %mul3A_294 : i32
    %add3A_296 = arith.constant 1440 : i32
    %add3A_297 = arith.addi %mul3A_295, %add3A_296 : i32
    "tpu.region"() ({
      %run_scoped3A = tpu.sem_alloc : memref<!tpu.dma_semaphore, #tpu.memory_space<semaphore_mem>>
      %dma_start3A = tpu.memref_slice %arg4[%add3A_297] : memref<69120xf32, #tpu.memory_space<hbm>> -> memref<720xf32, #tpu.memory_space<hbm>>
      %dma_start3A_298 = tpu.memref_slice %arg4[%add3A_297] : memref<69120xf32, #tpu.memory_space<hbm>> -> memref<720xf32, #tpu.memory_space<hbm>>
      tpu.enqueue_dma source(%arg9 : memref<720xf32, #tpu.memory_space<vmem>>) target(%dma_start3A_298 : memref<720xf32, #tpu.memory_space<hbm>>) target_semaphore(%run_scoped3A : memref<!tpu.dma_semaphore, #tpu.memory_space<semaphore_mem>>)
      %dma_wait3A = tpu.memref_slice %arg4[%add3A_297] : memref<69120xf32, #tpu.memory_space<hbm>> -> memref<720xf32, #tpu.memory_space<hbm>>
      %dma_wait3A_299 = tpu.memref_slice %arg4[%add3A_297] : memref<69120xf32, #tpu.memory_space<hbm>> -> memref<720xf32, #tpu.memory_space<hbm>>
      tpu.wait_dma2 semaphore(%run_scoped3A : memref<!tpu.dma_semaphore, #tpu.memory_space<semaphore_mem>>) src(%arg9 : memref<720xf32, #tpu.memory_space<vmem>>) dst(%dma_wait3A_299 : memref<720xf32, #tpu.memory_space<hbm>>)
      tpu.yield
    }) : () -> ()
    return
  }
}

module attributes {stable_mosaic.version = 14 : i64} {
  func.func @_dense_body(%arg0: i32, %arg1: memref<5000x64xf32, #tpu.memory_space<vmem>>, %arg2: memref<5000x64xf32, #tpu.memory_space<vmem>>, %arg3: memref<5000x64xf32, #tpu.memory_space<vmem>>, %arg4: memref<5000x64xf32, #tpu.memory_space<vmem>>, %arg5: memref<1x1x20000xi32, #tpu.memory_space<vmem>>, %arg6: memref<1x1x20000xf32, #tpu.memory_space<vmem>>) attributes {dimension_semantics = [#tpu.dimension_semantics<arbitrary>], iteration_bounds = array<i64: 50>, scalar_prefetch = 0 : i64, scratch_operands = 0 : i64, tpu.core_type = #tpu.core_type<tc>, window_params = [{transform_indices = @transform_0, window_bounds = array<i64: 5000, 64>}, {transform_indices = @transform_1, window_bounds = array<i64: 5000, 64>}, {transform_indices = @transform_2, window_bounds = array<i64: 5000, 64>}, {transform_indices = @transform_3, window_bounds = array<i64: 5000, 64>}, {transform_indices = @transform_4, window_bounds = array<i64: 1, 1, 20000>}, {transform_indices = @transform_5, window_bounds = array<i64: 1, 1, 20000>}]} {
    %get3A = arith.constant 0 : index
    %get3A_0 = arith.constant 0 : index
    %get3A_1 = vector.load %arg1[%get3A, %get3A_0] : memref<5000x64xf32, #tpu.memory_space<vmem>>, vector<5000x64xf32>
    %transpose3A = tpu.transpose %get3A_1, [1, 0] : vector<5000x64xf32> -> vector<64x5000xf32>
    %get3A_2 = arith.constant 0 : index
    %get3A_3 = arith.constant 0 : index
    %get3A_4 = arith.constant 0 : index
    %get3A_5 = vector.load %arg5[%get3A_2, %get3A_3, %get3A_4] : memref<1x1x20000xi32, #tpu.memory_space<vmem>>, vector<1x1x5000xi32>
    %get3A_6 = vector.shape_cast %get3A_5 : vector<1x1x5000xi32> to vector<5000xi32>
    %convert_element_type3A = arith.sitofp %get3A_6 : vector<5000xi32> to vector<5000xf32>
    %reduce_max3A = arith.constant dense<0xFF800000> : vector<5000xf32>
    %reduce_max3A_7 = vector.multi_reduction <maximumf>, %transpose3A, %reduce_max3A [0] : vector<64x5000xf32> to vector<5000xf32>
    %iota3A = tpu.iota {dimensions = array<i32: 0>} : vector<64x5000xi32>
    %convert_element_type3A_8 = arith.sitofp %iota3A : vector<64x5000xi32> to vector<64x5000xf32>
    %broadcast_in_dim3A = vector.shape_cast %reduce_max3A_7 : vector<5000xf32> to vector<1x5000xf32>
    %eq3A = vector.broadcast %broadcast_in_dim3A : vector<1x5000xf32> to vector<64x5000xf32>
    %eq3A_9 = arith.cmpf oeq, %transpose3A, %eq3A : vector<64x5000xf32>
    %jit3A = arith.constant 6.400000e+01 : f32
    %broadcast_in_dim3A_10 = vector.broadcast %jit3A : f32 to vector<64x5000xf32>
    %select_n3A = arith.select %eq3A_9, %convert_element_type3A_8, %broadcast_in_dim3A_10 : vector<64x5000xi1>, vector<64x5000xf32>
    %reduce_min3A = arith.constant dense<0x7F800000> : vector<5000xf32>
    %reduce_min3A_11 = vector.multi_reduction <minimumf>, %select_n3A, %reduce_min3A [0] : vector<64x5000xf32> to vector<5000xf32>
    %broadcast_in_dim3A_12 = vector.shape_cast %reduce_max3A_7 : vector<5000xf32> to vector<1x5000xf32>
    %sub3A = vector.broadcast %broadcast_in_dim3A_12 : vector<1x5000xf32> to vector<64x5000xf32>
    %sub3A_13 = arith.subf %transpose3A, %sub3A : vector<64x5000xf32>
    %exp3A = math.exp %sub3A_13 : vector<64x5000xf32>
    %reduce_sum3A = arith.constant dense<0.000000e+00> : vector<5000xf32>
    %reduce_sum3A_14 = vector.multi_reduction <add>, %exp3A, %reduce_sum3A [0] : vector<64x5000xf32> to vector<5000xf32>
    %div3A = arith.constant 1.000000e+00 : f32
    %div3A_15 = vector.broadcast %div3A : f32 to vector<5000xf32>
    %div3A_16 = arith.divf %div3A_15, %reduce_sum3A_14 : vector<5000xf32>
    %eq3A_17 = arith.cmpf oeq, %reduce_min3A_11, %convert_element_type3A : vector<5000xf32>
    %neg3A = arith.constant 0.000000e+00 : f32
    %neg3A_18 = vector.broadcast %neg3A : f32 to vector<5000xf32>
    %neg3A_19 = arith.subf %neg3A_18, %div3A_16 : vector<5000xf32>
    %select_n3A_20 = arith.select %eq3A_17, %div3A_16, %neg3A_19 : vector<5000xi1>, vector<5000xf32>
    %swap3A = arith.constant 0 : index
    %swap3A_21 = arith.constant 0 : index
    %swap3A_22 = arith.constant 0 : index
    %swap3A_23 = vector.load %arg6[%swap3A, %swap3A_21, %swap3A_22] : memref<1x1x20000xf32, #tpu.memory_space<vmem>>, vector<1x1x5000xf32>
    %swap3A_24 = vector.shape_cast %swap3A_23 : vector<1x1x5000xf32> to vector<5000xf32>
    %swap3A_25 = vector.shape_cast %select_n3A_20 : vector<5000xf32> to vector<1x1x5000xf32>
    tpu.vector_store %arg6[%swap3A, %swap3A_21, %swap3A_22], %swap3A_25 {strides = array<i32>} : memref<1x1x20000xf32, #tpu.memory_space<vmem>>, vector<1x1x5000xf32>,
    %get3A_26 = arith.constant 0 : index
    %get3A_27 = arith.constant 0 : index
    %get3A_28 = vector.load %arg2[%get3A_26, %get3A_27] : memref<5000x64xf32, #tpu.memory_space<vmem>>, vector<5000x64xf32>
    %transpose3A_29 = tpu.transpose %get3A_28, [1, 0] : vector<5000x64xf32> -> vector<64x5000xf32>
    %get3A_30 = arith.constant 0 : index
    %get3A_31 = arith.constant 0 : index
    %get3A_32 = arith.constant 5000 : index
    %get3A_33 = vector.load %arg5[%get3A_30, %get3A_31, %get3A_32] : memref<1x1x20000xi32, #tpu.memory_space<vmem>>, vector<1x1x5000xi32>
    %get3A_34 = vector.shape_cast %get3A_33 : vector<1x1x5000xi32> to vector<5000xi32>
    %convert_element_type3A_35 = arith.sitofp %get3A_34 : vector<5000xi32> to vector<5000xf32>
    %reduce_max3A_36 = arith.constant dense<0xFF800000> : vector<5000xf32>
    %reduce_max3A_37 = vector.multi_reduction <maximumf>, %transpose3A_29, %reduce_max3A_36 [0] : vector<64x5000xf32> to vector<5000xf32>
    %iota3A_38 = tpu.iota {dimensions = array<i32: 0>} : vector<64x5000xi32>
    %convert_element_type3A_39 = arith.sitofp %iota3A_38 : vector<64x5000xi32> to vector<64x5000xf32>
    %broadcast_in_dim3A_40 = vector.shape_cast %reduce_max3A_37 : vector<5000xf32> to vector<1x5000xf32>
    %eq3A_41 = vector.broadcast %broadcast_in_dim3A_40 : vector<1x5000xf32> to vector<64x5000xf32>
    %eq3A_42 = arith.cmpf oeq, %transpose3A_29, %eq3A_41 : vector<64x5000xf32>
    %jit3A_43 = arith.constant 6.400000e+01 : f32
    %broadcast_in_dim3A_44 = vector.broadcast %jit3A_43 : f32 to vector<64x5000xf32>
    %select_n3A_45 = arith.select %eq3A_42, %convert_element_type3A_39, %broadcast_in_dim3A_44 : vector<64x5000xi1>, vector<64x5000xf32>
    %reduce_min3A_46 = arith.constant dense<0x7F800000> : vector<5000xf32>
    %reduce_min3A_47 = vector.multi_reduction <minimumf>, %select_n3A_45, %reduce_min3A_46 [0] : vector<64x5000xf32> to vector<5000xf32>
    %broadcast_in_dim3A_48 = vector.shape_cast %reduce_max3A_37 : vector<5000xf32> to vector<1x5000xf32>
    %sub3A_49 = vector.broadcast %broadcast_in_dim3A_48 : vector<1x5000xf32> to vector<64x5000xf32>
    %sub3A_50 = arith.subf %transpose3A_29, %sub3A_49 : vector<64x5000xf32>
    %exp3A_51 = math.exp %sub3A_50 : vector<64x5000xf32>
    %reduce_sum3A_52 = arith.constant dense<0.000000e+00> : vector<5000xf32>
    %reduce_sum3A_53 = vector.multi_reduction <add>, %exp3A_51, %reduce_sum3A_52 [0] : vector<64x5000xf32> to vector<5000xf32>
    %div3A_54 = arith.constant 1.000000e+00 : f32
    %div3A_55 = vector.broadcast %div3A_54 : f32 to vector<5000xf32>
    %div3A_56 = arith.divf %div3A_55, %reduce_sum3A_53 : vector<5000xf32>
    %eq3A_57 = arith.cmpf oeq, %reduce_min3A_47, %convert_element_type3A_35 : vector<5000xf32>
    %neg3A_58 = arith.constant 0.000000e+00 : f32
    %neg3A_59 = vector.broadcast %neg3A_58 : f32 to vector<5000xf32>
    %neg3A_60 = arith.subf %neg3A_59, %div3A_56 : vector<5000xf32>
    %select_n3A_61 = arith.select %eq3A_57, %div3A_56, %neg3A_60 : vector<5000xi1>, vector<5000xf32>
    %swap3A_62 = arith.constant 0 : index
    %swap3A_63 = arith.constant 0 : index
    %swap3A_64 = arith.constant 5000 : index
    %swap3A_65 = vector.load %arg6[%swap3A_62, %swap3A_63, %swap3A_64] : memref<1x1x20000xf32, #tpu.memory_space<vmem>>, vector<1x1x5000xf32>
    %swap3A_66 = vector.shape_cast %swap3A_65 : vector<1x1x5000xf32> to vector<5000xf32>
    %swap3A_67 = vector.shape_cast %select_n3A_61 : vector<5000xf32> to vector<1x1x5000xf32>
    tpu.vector_store %arg6[%swap3A_62, %swap3A_63, %swap3A_64], %swap3A_67 {strides = array<i32>} : memref<1x1x20000xf32, #tpu.memory_space<vmem>>, vector<1x1x5000xf32>,
    %get3A_68 = arith.constant 0 : index
    %get3A_69 = arith.constant 0 : index
    %get3A_70 = vector.load %arg3[%get3A_68, %get3A_69] : memref<5000x64xf32, #tpu.memory_space<vmem>>, vector<5000x64xf32>
    %transpose3A_71 = tpu.transpose %get3A_70, [1, 0] : vector<5000x64xf32> -> vector<64x5000xf32>
    %get3A_72 = arith.constant 0 : index
    %get3A_73 = arith.constant 0 : index
    %get3A_74 = arith.constant 10000 : index
    %get3A_75 = vector.load %arg5[%get3A_72, %get3A_73, %get3A_74] : memref<1x1x20000xi32, #tpu.memory_space<vmem>>, vector<1x1x5000xi32>
    %get3A_76 = vector.shape_cast %get3A_75 : vector<1x1x5000xi32> to vector<5000xi32>
    %convert_element_type3A_77 = arith.sitofp %get3A_76 : vector<5000xi32> to vector<5000xf32>
    %reduce_max3A_78 = arith.constant dense<0xFF800000> : vector<5000xf32>
    %reduce_max3A_79 = vector.multi_reduction <maximumf>, %transpose3A_71, %reduce_max3A_78 [0] : vector<64x5000xf32> to vector<5000xf32>
    %iota3A_80 = tpu.iota {dimensions = array<i32: 0>} : vector<64x5000xi32>
    %convert_element_type3A_81 = arith.sitofp %iota3A_80 : vector<64x5000xi32> to vector<64x5000xf32>
    %broadcast_in_dim3A_82 = vector.shape_cast %reduce_max3A_79 : vector<5000xf32> to vector<1x5000xf32>
    %eq3A_83 = vector.broadcast %broadcast_in_dim3A_82 : vector<1x5000xf32> to vector<64x5000xf32>
    %eq3A_84 = arith.cmpf oeq, %transpose3A_71, %eq3A_83 : vector<64x5000xf32>
    %jit3A_85 = arith.constant 6.400000e+01 : f32
    %broadcast_in_dim3A_86 = vector.broadcast %jit3A_85 : f32 to vector<64x5000xf32>
    %select_n3A_87 = arith.select %eq3A_84, %convert_element_type3A_81, %broadcast_in_dim3A_86 : vector<64x5000xi1>, vector<64x5000xf32>
    %reduce_min3A_88 = arith.constant dense<0x7F800000> : vector<5000xf32>
    %reduce_min3A_89 = vector.multi_reduction <minimumf>, %select_n3A_87, %reduce_min3A_88 [0] : vector<64x5000xf32> to vector<5000xf32>
    %broadcast_in_dim3A_90 = vector.shape_cast %reduce_max3A_79 : vector<5000xf32> to vector<1x5000xf32>
    %sub3A_91 = vector.broadcast %broadcast_in_dim3A_90 : vector<1x5000xf32> to vector<64x5000xf32>
    %sub3A_92 = arith.subf %transpose3A_71, %sub3A_91 : vector<64x5000xf32>
    %exp3A_93 = math.exp %sub3A_92 : vector<64x5000xf32>
    %reduce_sum3A_94 = arith.constant dense<0.000000e+00> : vector<5000xf32>
    %reduce_sum3A_95 = vector.multi_reduction <add>, %exp3A_93, %reduce_sum3A_94 [0] : vector<64x5000xf32> to vector<5000xf32>
    %div3A_96 = arith.constant 1.000000e+00 : f32
    %div3A_97 = vector.broadcast %div3A_96 : f32 to vector<5000xf32>
    %div3A_98 = arith.divf %div3A_97, %reduce_sum3A_95 : vector<5000xf32>
    %eq3A_99 = arith.cmpf oeq, %reduce_min3A_89, %convert_element_type3A_77 : vector<5000xf32>
    %neg3A_100 = arith.constant 0.000000e+00 : f32
    %neg3A_101 = vector.broadcast %neg3A_100 : f32 to vector<5000xf32>
    %neg3A_102 = arith.subf %neg3A_101, %div3A_98 : vector<5000xf32>
    %select_n3A_103 = arith.select %eq3A_99, %div3A_98, %neg3A_102 : vector<5000xi1>, vector<5000xf32>
    %swap3A_104 = arith.constant 0 : index
    %swap3A_105 = arith.constant 0 : index
    %swap3A_106 = arith.constant 10000 : index
    %swap3A_107 = vector.load %arg6[%swap3A_104, %swap3A_105, %swap3A_106] : memref<1x1x20000xf32, #tpu.memory_space<vmem>>, vector<1x1x5000xf32>
    %swap3A_108 = vector.shape_cast %swap3A_107 : vector<1x1x5000xf32> to vector<5000xf32>
    %swap3A_109 = vector.shape_cast %select_n3A_103 : vector<5000xf32> to vector<1x1x5000xf32>
    tpu.vector_store %arg6[%swap3A_104, %swap3A_105, %swap3A_106], %swap3A_109 {strides = array<i32>} : memref<1x1x20000xf32, #tpu.memory_space<vmem>>, vector<1x1x5000xf32>,
    %get3A_110 = arith.constant 0 : index
    %get3A_111 = arith.constant 0 : index
    %get3A_112 = vector.load %arg4[%get3A_110, %get3A_111] : memref<5000x64xf32, #tpu.memory_space<vmem>>, vector<5000x64xf32>
    %transpose3A_113 = tpu.transpose %get3A_112, [1, 0] : vector<5000x64xf32> -> vector<64x5000xf32>
    %get3A_114 = arith.constant 0 : index
    %get3A_115 = arith.constant 0 : index
    %get3A_116 = arith.constant 15000 : index
    %get3A_117 = vector.load %arg5[%get3A_114, %get3A_115, %get3A_116] : memref<1x1x20000xi32, #tpu.memory_space<vmem>>, vector<1x1x5000xi32>
    %get3A_118 = vector.shape_cast %get3A_117 : vector<1x1x5000xi32> to vector<5000xi32>
    %convert_element_type3A_119 = arith.sitofp %get3A_118 : vector<5000xi32> to vector<5000xf32>
    %reduce_max3A_120 = arith.constant dense<0xFF800000> : vector<5000xf32>
    %reduce_max3A_121 = vector.multi_reduction <maximumf>, %transpose3A_113, %reduce_max3A_120 [0] : vector<64x5000xf32> to vector<5000xf32>
    %iota3A_122 = tpu.iota {dimensions = array<i32: 0>} : vector<64x5000xi32>
    %convert_element_type3A_123 = arith.sitofp %iota3A_122 : vector<64x5000xi32> to vector<64x5000xf32>
    %broadcast_in_dim3A_124 = vector.shape_cast %reduce_max3A_121 : vector<5000xf32> to vector<1x5000xf32>
    %eq3A_125 = vector.broadcast %broadcast_in_dim3A_124 : vector<1x5000xf32> to vector<64x5000xf32>
    %eq3A_126 = arith.cmpf oeq, %transpose3A_113, %eq3A_125 : vector<64x5000xf32>
    %jit3A_127 = arith.constant 6.400000e+01 : f32
    %broadcast_in_dim3A_128 = vector.broadcast %jit3A_127 : f32 to vector<64x5000xf32>
    %select_n3A_129 = arith.select %eq3A_126, %convert_element_type3A_123, %broadcast_in_dim3A_128 : vector<64x5000xi1>, vector<64x5000xf32>
    %reduce_min3A_130 = arith.constant dense<0x7F800000> : vector<5000xf32>
    %reduce_min3A_131 = vector.multi_reduction <minimumf>, %select_n3A_129, %reduce_min3A_130 [0] : vector<64x5000xf32> to vector<5000xf32>
    %broadcast_in_dim3A_132 = vector.shape_cast %reduce_max3A_121 : vector<5000xf32> to vector<1x5000xf32>
    %sub3A_133 = vector.broadcast %broadcast_in_dim3A_132 : vector<1x5000xf32> to vector<64x5000xf32>
    %sub3A_134 = arith.subf %transpose3A_113, %sub3A_133 : vector<64x5000xf32>
    %exp3A_135 = math.exp %sub3A_134 : vector<64x5000xf32>
    %reduce_sum3A_136 = arith.constant dense<0.000000e+00> : vector<5000xf32>
    %reduce_sum3A_137 = vector.multi_reduction <add>, %exp3A_135, %reduce_sum3A_136 [0] : vector<64x5000xf32> to vector<5000xf32>
    %div3A_138 = arith.constant 1.000000e+00 : f32
    %div3A_139 = vector.broadcast %div3A_138 : f32 to vector<5000xf32>
    %div3A_140 = arith.divf %div3A_139, %reduce_sum3A_137 : vector<5000xf32>
    %eq3A_141 = arith.cmpf oeq, %reduce_min3A_131, %convert_element_type3A_119 : vector<5000xf32>
    %neg3A_142 = arith.constant 0.000000e+00 : f32
    %neg3A_143 = vector.broadcast %neg3A_142 : f32 to vector<5000xf32>
    %neg3A_144 = arith.subf %neg3A_143, %div3A_140 : vector<5000xf32>
    %select_n3A_145 = arith.select %eq3A_141, %div3A_140, %neg3A_144 : vector<5000xi1>, vector<5000xf32>
    %swap3A_146 = arith.constant 0 : index
    %swap3A_147 = arith.constant 0 : index
    %swap3A_148 = arith.constant 15000 : index
    %swap3A_149 = vector.load %arg6[%swap3A_146, %swap3A_147, %swap3A_148] : memref<1x1x20000xf32, #tpu.memory_space<vmem>>, vector<1x1x5000xf32>
    %swap3A_150 = vector.shape_cast %swap3A_149 : vector<1x1x5000xf32> to vector<5000xf32>
    %swap3A_151 = vector.shape_cast %select_n3A_145 : vector<5000xf32> to vector<1x1x5000xf32>
    tpu.vector_store %arg6[%swap3A_146, %swap3A_147, %swap3A_148], %swap3A_151 {strides = array<i32>} : memref<1x1x20000xf32, #tpu.memory_space<vmem>>, vector<1x1x5000xf32>,
    return
  }
  func.func @transform_0(%arg0: i32) -> (i32, i32) {
    %mul3A = arith.constant 4 : i32
    %mul3A_0 = arith.muli %mul3A, %arg0 : i32
    %add3A = arith.constant 0 : i32
    %add3A_1 = arith.addi %mul3A_0, %add3A : i32
    %c0_i32 = arith.constant 0 : i32
    %c0_i32_2 = arith.constant 0 : i32
    return %add3A_1, %c0_i32 : i32, i32
  }
  func.func @transform_1(%arg0: i32) -> (i32, i32) {
    %mul3A = arith.constant 4 : i32
    %mul3A_0 = arith.muli %mul3A, %arg0 : i32
    %add3A = arith.constant 1 : i32
    %add3A_1 = arith.addi %mul3A_0, %add3A : i32
    %c0_i32 = arith.constant 0 : i32
    %c0_i32_2 = arith.constant 0 : i32
    return %add3A_1, %c0_i32 : i32, i32
  }
  func.func @transform_2(%arg0: i32) -> (i32, i32) {
    %mul3A = arith.constant 4 : i32
    %mul3A_0 = arith.muli %mul3A, %arg0 : i32
    %add3A = arith.constant 2 : i32
    %add3A_1 = arith.addi %mul3A_0, %add3A : i32
    %c0_i32 = arith.constant 0 : i32
    %c0_i32_2 = arith.constant 0 : i32
    return %add3A_1, %c0_i32 : i32, i32
  }
  func.func @transform_3(%arg0: i32) -> (i32, i32) {
    %mul3A = arith.constant 4 : i32
    %mul3A_0 = arith.muli %mul3A, %arg0 : i32
    %add3A = arith.constant 3 : i32
    %add3A_1 = arith.addi %mul3A_0, %add3A : i32
    %c0_i32 = arith.constant 0 : i32
    %c0_i32_2 = arith.constant 0 : i32
    return %add3A_1, %c0_i32 : i32, i32
  }
  func.func @transform_4(%arg0: i32) -> (i32, i32, i32) {
    %c0_i32 = arith.constant 0 : i32
    %c0_i32_0 = arith.constant 0 : i32
    %c0_i32_1 = arith.constant 0 : i32
    return %arg0, %c0_i32, %c0_i32_0 : i32, i32, i32
  }
  func.func @transform_5(%arg0: i32) -> (i32, i32, i32) {
    %c0_i32 = arith.constant 0 : i32
    %c0_i32_0 = arith.constant 0 : i32
    %c0_i32_1 = arith.constant 0 : i32
    return %arg0, %c0_i32, %c0_i32_0 : i32, i32, i32
  }
}

module attributes {stable_mosaic.version = 14 : i64} {
  func.func @_final_body(%arg0: memref<32x9x240xf32, #tpu.memory_space<vmem>>, %arg1: memref<1x1xf32, #tpu.memory_space<vmem>>) attributes {dimension_semantics = [], scalar_prefetch = 0 : i64, scratch_operands = 0 : i64, tpu.core_type = #tpu.core_type<tc>} {
    %get3A = arith.constant 0 : index
    %get3A_0 = arith.constant 0 : index
    %get3A_1 = arith.constant 0 : index
    %get3A_2 = vector.load %arg0[%get3A, %get3A_0, %get3A_1] : memref<32x9x240xf32, #tpu.memory_space<vmem>>, vector<32x9x240xf32>
    %reduce_sum3A = arith.constant dense<0.000000e+00> : vector<9x240xf32>
    %reduce_sum3A_3 = vector.multi_reduction <add>, %get3A_2, %reduce_sum3A [0] : vector<32x9x240xf32> to vector<9x240xf32>
    %slice3A = vector.extract_strided_slice %reduce_sum3A_3 {offsets = [0, 0], sizes = [1, 240], strides = [1, 1]} : vector<9x240xf32> to vector<1x240xf32>
    %slice3A_4 = vector.extract_strided_slice %reduce_sum3A_3 {offsets = [1, 0], sizes = [1, 240], strides = [1, 1]} : vector<9x240xf32> to vector<1x240xf32>
    %add3A = arith.addf %slice3A, %slice3A_4 : vector<1x240xf32>
    %slice3A_5 = vector.extract_strided_slice %reduce_sum3A_3 {offsets = [2, 0], sizes = [1, 240], strides = [1, 1]} : vector<9x240xf32> to vector<1x240xf32>
    %add3A_6 = arith.addf %add3A, %slice3A_5 : vector<1x240xf32>
    %slice3A_7 = vector.extract_strided_slice %reduce_sum3A_3 {offsets = [3, 0], sizes = [1, 240], strides = [1, 1]} : vector<9x240xf32> to vector<1x240xf32>
    %slice3A_8 = vector.extract_strided_slice %reduce_sum3A_3 {offsets = [4, 0], sizes = [1, 240], strides = [1, 1]} : vector<9x240xf32> to vector<1x240xf32>
    %add3A_9 = arith.addf %slice3A_7, %slice3A_8 : vector<1x240xf32>
    %slice3A_10 = vector.extract_strided_slice %reduce_sum3A_3 {offsets = [5, 0], sizes = [1, 240], strides = [1, 1]} : vector<9x240xf32> to vector<1x240xf32>
    %add3A_11 = arith.addf %add3A_9, %slice3A_10 : vector<1x240xf32>
    %slice3A_12 = vector.extract_strided_slice %reduce_sum3A_3 {offsets = [6, 0], sizes = [1, 240], strides = [1, 1]} : vector<9x240xf32> to vector<1x240xf32>
    %slice3A_13 = vector.extract_strided_slice %reduce_sum3A_3 {offsets = [7, 0], sizes = [1, 240], strides = [1, 1]} : vector<9x240xf32> to vector<1x240xf32>
    %add3A_14 = arith.addf %slice3A_12, %slice3A_13 : vector<1x240xf32>
    %slice3A_15 = vector.extract_strided_slice %reduce_sum3A_3 {offsets = [8, 0], sizes = [1, 240], strides = [1, 1]} : vector<9x240xf32> to vector<1x240xf32>
    %add3A_16 = arith.addf %add3A_14, %slice3A_15 : vector<1x240xf32>
    %iota3A = tpu.iota {dimensions = array<i32: 1>} : vector<15x240xi32>
    %jit3A = arith.constant 16 : i32
    %div3A = vector.broadcast %jit3A : i32 to vector<15x240xi32>
    %div3A_17 = arith.divsi %iota3A, %div3A : vector<15x240xi32>
    %sign3A = arith.constant 0 : i32
    %sign3A_18 = vector.broadcast %sign3A : i32 to vector<15x240xi32>
    %sign3A_19 = arith.cmpi sgt, %iota3A, %sign3A_18 : vector<15x240xi32>
    %sign3A_20 = arith.extui %sign3A_19 : vector<15x240xi1> to vector<15x240xi32>
    %sign3A_21 = arith.constant 0 : i32
    %sign3A_22 = vector.broadcast %sign3A_21 : i32 to vector<15x240xi32>
    %sign3A_23 = arith.cmpi slt, %iota3A, %sign3A_22 : vector<15x240xi32>
    %sign3A_24 = arith.extui %sign3A_23 : vector<15x240xi1> to vector<15x240xi32>
    %sign3A_25 = arith.subi %sign3A_20, %sign3A_24 : vector<15x240xi32>
    %sign3A_26 = arith.constant 0 : i32
    %sign3A_27 = arith.cmpi sgt, %jit3A, %sign3A_26 : i32
    %sign3A_28 = arith.extui %sign3A_27 : i1 to i32
    %sign3A_29 = arith.constant 0 : i32
    %sign3A_30 = arith.cmpi slt, %jit3A, %sign3A_29 : i32
    %sign3A_31 = arith.extui %sign3A_30 : i1 to i32
    %sign3A_32 = arith.subi %sign3A_28, %sign3A_31 : i32
    %ne3A = vector.broadcast %sign3A_32 : i32 to vector<15x240xi32>
    %ne3A_33 = arith.cmpi ne, %sign3A_25, %ne3A : vector<15x240xi32>
    %rem3A = vector.broadcast %jit3A : i32 to vector<15x240xi32>
    %rem3A_34 = arith.remsi %iota3A, %rem3A : vector<15x240xi32>
    %ne3A_35 = arith.constant 0 : i32
    %ne3A_36 = vector.broadcast %ne3A_35 : i32 to vector<15x240xi32>
    %ne3A_37 = arith.cmpi ne, %rem3A_34, %ne3A_36 : vector<15x240xi32>
    %and3A = arith.andi %ne3A_33, %ne3A_37 : vector<15x240xi1>
    %sub3A = arith.constant 1 : i32
    %sub3A_38 = vector.broadcast %sub3A : i32 to vector<15x240xi32>
    %sub3A_39 = arith.subi %div3A_17, %sub3A_38 : vector<15x240xi32>
    %select_n3A = arith.select %and3A, %sub3A_39, %div3A_17 : vector<15x240xi1>, vector<15x240xi32>
    %iota3A_40 = tpu.iota {dimensions = array<i32: 0>} : vector<15x240xi32>
    %eq3A = arith.cmpi eq, %select_n3A, %iota3A_40 : vector<15x240xi32>
    %convert_element_type3A = arith.extui %eq3A : vector<15x240xi1> to vector<15x240xi32>
    %convert_element_type3A_41 = arith.sitofp %convert_element_type3A : vector<15x240xi32> to vector<15x240xf32>
    %mul3A = vector.broadcast %add3A_6 : vector<1x240xf32> to vector<15x240xf32>
    %mul3A_42 = arith.mulf %convert_element_type3A_41, %mul3A : vector<15x240xf32>
    %reduce_sum3A_43 = arith.constant dense<0.000000e+00> : vector<15xf32>
    %reduce_sum3A_44 = vector.multi_reduction <add>, %mul3A_42, %reduce_sum3A_43 [1] : vector<15x240xf32> to vector<15xf32>
    %mul3A_45 = vector.broadcast %add3A_11 : vector<1x240xf32> to vector<15x240xf32>
    %mul3A_46 = arith.mulf %convert_element_type3A_41, %mul3A_45 : vector<15x240xf32>
    %reduce_sum3A_47 = arith.constant dense<0.000000e+00> : vector<15xf32>
    %reduce_sum3A_48 = vector.multi_reduction <add>, %mul3A_46, %reduce_sum3A_47 [1] : vector<15x240xf32> to vector<15xf32>
    %mul3A_49 = vector.broadcast %add3A_16 : vector<1x240xf32> to vector<15x240xf32>
    %mul3A_50 = arith.mulf %convert_element_type3A_41, %mul3A_49 : vector<15x240xf32>
    %reduce_sum3A_51 = arith.constant dense<0.000000e+00> : vector<15xf32>
    %reduce_sum3A_52 = vector.multi_reduction <add>, %mul3A_50, %reduce_sum3A_51 [1] : vector<15x240xf32> to vector<15xf32>
    %max3A = arith.constant 1.000000e+00 : f32
    %max3A_53 = vector.broadcast %max3A : f32 to vector<15xf32>
    %max3A_54 = arith.maximumf %reduce_sum3A_44, %max3A_53 : vector<15xf32>
    %gt3A = arith.constant 0.000000e+00 : f32
    %gt3A_55 = vector.broadcast %gt3A : f32 to vector<15xf32>
    %gt3A_56 = arith.cmpf ogt, %reduce_sum3A_44, %gt3A_55 : vector<15xf32>
    %div3A_57 = arith.divf %reduce_sum3A_48, %max3A_54 : vector<15xf32>
    %div3A_58 = arith.divf %reduce_sum3A_52, %max3A_54 : vector<15xf32>
    %sub3A_59 = arith.subf %div3A_57, %div3A_58 : vector<15xf32>
    %abs3A = math.absf %sub3A_59 : vector<15xf32>
    %div3A_60 = arith.constant 1.000000e+06 : f32
    %div3A_61 = vector.broadcast %div3A_60 : f32 to vector<15xf32>
    %div3A_62 = arith.divf %reduce_sum3A_44, %div3A_61 : vector<15xf32>
    %mul3A_63 = arith.mulf %abs3A, %div3A_62 : vector<15xf32>
    %jit3A_64 = arith.constant 0.000000e+00 : f32
    %broadcast_in_dim3A = vector.broadcast %jit3A_64 : f32 to vector<15xf32>
    %select_n3A_65 = arith.select %gt3A_56, %mul3A_63, %broadcast_in_dim3A : vector<15xi1>, vector<15xf32>
    %reduce_sum3A_66 = vector.shape_cast %select_n3A_65 : vector<15xf32> to vector<1x15xf32>
    %reduce_sum3A_67 = arith.constant dense<0.000000e+00> : vector<1xf32>
    %reduce_sum3A_68 = vector.multi_reduction <add>, %reduce_sum3A_66, %reduce_sum3A_67 [1] : vector<1x15xf32> to vector<1xf32>
    %reduce_sum3A_69 = vector.shape_cast %reduce_sum3A_68 : vector<1xf32> to vector<1x1xf32>
    %reduce_sum3A_70 = vector.extract %reduce_sum3A_69[0, 0] : f32 from vector<1x1xf32>
    %reshape3A = vector.broadcast %reduce_sum3A_70 : f32 to vector<1x1xf32>
    %swap3A = arith.constant 0 : index
    %swap3A_71 = arith.constant 0 : index
    %swap3A_72 = vector.load %arg1[%swap3A, %swap3A_71] : memref<1x1xf32, #tpu.memory_space<vmem>>, vector<1x1xf32>
    tpu.vector_store %arg1[%swap3A, %swap3A_71], %reshape3A {strides = array<i32>} : memref<1x1xf32, #tpu.memory_space<vmem>>, vector<1x1xf32>,
    return
  }
}

</mosaic_0001>

<sc_bundles>
// kernel: kernel.5.cloned.1.call-start
scs
__scs_entry_jumppad:
0x0: {  	(pc) =	sbr.rel $0x88, $3  }
0x1: {  	(tag) =	ssettag $0x0;
	lr =	simm.s32 $0x1  }
0x2: {  	[smem:$0x3F9F] =	sst lr;
	_ =	strace $0xD0000000  }
0x3: {  	_ = 	snop  }
0x4: {  	_ = 	snop  }
0x5: {  	_ = 	snop  }
0x6: {  	_ = 	snop  }
0x7: {  	_ = 	snop  }
__scs_overlays_trampoline_lowered:
0x8: {  	[smem:$0x3FAE] =	sst s0  }
0x9: {  	[smem:$0x3FAF] =	sst s1  }
0xa: {  	[smem:$0x3FB0] =	sst s2  }
0xb: {  	[smem:$0x3FB1] =	sst s3  }
0xc: {  	[smem:$0x3FB2] =	sst s4  }
0xd: {  	[smem:$0x3FB3] =	sst s5  }
0xe: {  	[smem:$0x3FB4] =	sst s6  }
0xf: {  	[smem:$0x3FB5] =	sst s7  }
0x10: {  	[smem:$0x3FB6] =	sst s8  }
0x11: {  	[smem:$0x3FB7] =	sst s9;
	s0 =	simm.s32 @!p0 $0x0  }
0x12: {  	s1 =	sld [smem:$0x3F9D];
	s0 =	simm.s32 @p0 $0x1  }
0x13: {  	[smem:$0x3FB8] =	sst s0;
	s0 =	simm.s32 @!p1 $0x0  }
0x14: {  	s2 =	sld [smem:$0x3F9C];
	s0 =	simm.s32 @p1 $0x1  }
0x15: {  	[smem:$0x3FB9] =	sst s0;
	s0 =	simm.s32 @!p2 $0x0  }
0x16: {  	s3 =	sld [smem:$0x3FDB];
	s0 =	simm.s32 @p2 $0x1  }
0x17: {  	s4 =	simm.s32 $0x1BF5;
	[smem:$0x3FBB] =	sst s0  }
0x18: {  	s0 =	sld [smem:$0x3F9E];
	_ =	swait.ge [sflag:s4], $0x0  }
0x19: {  	s7 =	sld [smem:$0x3F9F]  }
0x1a: {  	s8 =	sadd.s32 $0xFFFFE003, lr  }
0x1b: {  	s9 =	sadd.s32 $0xFFFFFEF7, lr;
	s5 =	simm.s32 $0xFFFFFFFF;
	p2 =	slt.u32 s8, $0xFFFFF086  }
0x1c: {  	p1 =	slt.u32 s9, $0xF7A;
	s5 =	simm.s32 @!p2 $0x0  }
0x1d: {  	s5 =	simm.s32 @p1 $0x1;
	p0 =	seq.s32 s7, s2  }
0x1e: {  	s7 =	smul.u32 @!p0 $0xF7A, s2;
	p2 =	seq.s32 @!p0 s5, $0x0  }
0x1f: {  	s9 =	smul.u32 $0xF7A, s1;
	s8 =	simm.s32 @!p0 $0x1BF5;
	p2 =	por !p2, p0  }
0x20: {  	[sflag:s8] =	ssyncset.s32 @!p0 $0xFFFFF086;
	s6 =	sadd.s32 @!p0 s3, s7;
	s7 =	simm.s32 @!p0 $0x108  }
0x21: {  	s3 =	sadd.s32 s3, s9;
	s6 =	sadd.s32 @!p0 $0x88, s6;
	s7 =	simm.s32 @p2 $0x1082  }
0x22: {  	[simem:s7], [sflag:s8] =	dma.local @!p0 [hbm:s6], $0xF7A  }
0x23: {  	s9 =	sor.u32 $0xD0000000, s2;
	s6 =	simm.s32 $0x108;
	_ =	swait.ge @!p0 [sflag:s8], $0x0  }
0x24: {  	s3 =	sadd.s32 $0x88, s3;
	s6 =	simm.s32 @!p1 $0x1082;
	[sflag:s4] =	ssyncset.s32 $0xFFFFF086  }
0x25: {  	[simem:s6], [sflag:s4] =	dma.local [hbm:s3], $0xF7A  }
0x26: {  	[smem:$0x3F9F] =	sst s1;
	(tag) =	ssettag s2;
	_ =	strace s9  }
0x27: {  	s1 =	sld [smem:$0x3FAF]  }
0x28: {  	s2 =	sld [smem:$0x3FB0]  }
0x29: {  	s4 =	sld [smem:$0x3FB2]  }
0x2a: {  	p0 =	seq.s32 s5, $0x0;
	s5 =	sld [smem:$0x3FB3]  }
0x2b: {  	s6 =	sld [smem:$0x3FB4]  }
0x2c: {  	s7 =	sld [smem:$0x3FB5]  }
0x2d: {  	s3 =	simm.s32 $0x108;
	s8 =	sld [smem:$0x3FB6]  }
0x2e: {  	s3 =	simm.s32 @!p0 $0x1082;
	s9 =	sld [smem:$0x3FB7]  }
0x2f: {  	lr =	sadd.s32 s0, s3;
	s0 =	sld [smem:$0x3FAE]  }
0x30: {  	s3 =	sld [smem:$0x3FB1]  }
0x31: {  	[smem:$0x3FBA] =	sst s10  }
0x32: {  	s10 =	sld [smem:$0x3FB8];
	_ =	sdelay $0x3  }
0x33: {  	p0 =	seq.s32 s10, $0x1;
	s10 =	sld [smem:$0x3FBA];
	_ =	sdelay $0x3  }
0x34: {  	[smem:$0x3FBA] =	sst s10  }
0x35: {  	s10 =	sld [smem:$0x3FB9];
	_ =	sdelay $0x3  }
0x36: {  	p1 =	seq.s32 s10, $0x1;
	s10 =	sld [smem:$0x3FBA];
	_ =	sdelay $0x3  }
0x37: {  	[smem:$0x3FBA] =	sst s10  }
0x38: {  	s10 =	sld [smem:$0x3FBB]  }
0x39: {  	_ = 	snop;
	(pc) =	sbr.ind lr, $3  }
0x3a: {  	_ = 	snop  }
0x3b: {  	_ = 	snop  }
0x3c: {  	p2 =	seq.s32 s10, $0x1;
	s10 =	sld [smem:$0x3FBA]  }
0x3d: {  	_ =	shalt  }
0x3e: {  	_ =	shalt  }
0x3f: {  	_ =	shalt  }
0x40: {  	_ =	shalt  }
0x41: {  	_ =	shalt  }
0x42: {  	_ =	shalt  }
0x43: {  	_ =	shalt  }
0x44: {  	_ =	shalt  }
0x45: {  	_ =	shalt  }
0x46: {  	_ =	shalt  }
0x47: {  	_ =	shalt  }
0x48: {  	_ =	shalt  }
0x49: {  	_ =	shalt  }
0x4a: {  	_ =	shalt  }
0x4b: {  	_ =	shalt  }
0x4c: {  	_ =	shalt  }
0x4d: {  	_ =	shalt  }
0x4e: {  	_ =	shalt  }
0x4f: {  	_ =	shalt  }
0x50: {  	_ =	shalt  }
0x51: {  	_ =	shalt  }
0x52: {  	_ =	shalt  }
0x53: {  	_ =	shalt  }
0x54: {  	_ =	shalt  }
0x55: {  	_ =	shalt  }
0x56: {  	_ =	shalt  }
0x57: {  	_ =	shalt  }
0x58: {  	_ =	shalt  }
0x59: {  	_ =	shalt  }
0x5a: {  	_ =	shalt  }
0x5b: {  	_ =	shalt  }
0x5c: {  	_ =	shalt  }
0x5d: {  	_ =	shalt  }
0x5e: {  	_ =	shalt  }
0x5f: {  	_ =	shalt  }
0x60: {  	_ =	shalt  }
0x61: {  	_ =	shalt  }
0x62: {  	_ =	shalt  }
0x63: {  	_ =	shalt  }
0x64: {  	_ =	shalt  }
0x65: {  	_ =	shalt  }
0x66: {  	_ =	shalt  }
0x67: {  	_ =	shalt  }
0x68: {  	_ =	shalt  }
0x69: {  	_ =	shalt  }
0x6a: {  	_ =	shalt  }
0x6b: {  	_ =	shalt  }
0x6c: {  	_ =	shalt  }
0x6d: {  	_ =	shalt  }
0x6e: {  	_ =	shalt  }
0x6f: {  	_ =	shalt  }
0x70: {  	_ =	shalt  }
0x71: {  	_ =	shalt  }
0x72: {  	_ =	shalt  }
0x73: {  	_ =	shalt  }
0x74: {  	_ =	shalt  }
0x75: {  	_ =	shalt  }
0x76: {  	_ =	shalt  }
0x77: {  	_ =	shalt  }
0x78: {  	_ =	shalt  }
0x79: {  	_ =	shalt  }
0x7a: {  	_ =	shalt  }
0x7b: {  	_ =	shalt  }
0x7c: {  	_ =	shalt  }
0x7d: {  	_ =	shalt  }
0x7e: {  	_ =	shalt  }
0x7f: {  	_ =	shalt  }
0x80: {  	_ =	shalt  }
0x81: {  	_ =	shalt  }
0x82: {  	_ =	shalt  }
0x83: {  	_ =	shalt  }
0x84: {  	_ =	shalt  }
0x85: {  	_ =	shalt  }
0x86: {  	_ =	shalt  }
0x87: {  	_ =	shalt  }
.Lfunc_end0:
.L_simem_size_0:
called_computation_lowered:
.L_overlay_start_0:
0x88: {  	s2 =	sld [smem:$0x3FD9]  }
0x89: {  	s3 =	sld [smem:$0x3FFE];
	_ =	sdelay $0x1  }
0x8a: {  	s1 =	srdreg.scid  }
0x8b: {  	s0 =	sand.u32 $0x1, s1  }
0x8c: {  	s17 =	sshll.u32 s0, $0xA;
	s2 =	sadd.s32 s3, s2  }
0x8d: {  	s2 =	sadd.s32 s2, s17  }
0x8e: {  	[smem:$0x3FC6] =	sst s2  }
0x8f: {  	_ = 	snop  }
0x90: {  	s2 =	sld [smem:$0x3FD0];
	(tm) =	ssettm $0x1  }
0x91: {  	s18 =	sld [smem:$0x3FFB];
	_ =	sdelay $0x3  }
0x92: {  	_ =	strace s18  }
0x93: {  	s3 =	sld [smem:$0x3FFC];
	_ =	sdelay $0x3  }
0x94: {  	_ =	strace s3  }
0x95: {  	s3 =	sld [smem:$0x3FFD];
	_ =	sdelay $0x3  }
0x96: {  	_ =	strace s3  }
0x97: {  	_ =	strace $0x8FFFFFFF  }
0x98: {  	s19 =	sld [smem:$0x3FDB];
	_ =	sdelay $0x1  }
0x99: {  	s4 =	simm.s32 $_scs_section_size  }
0x9a: {  	s5 =	simm.s32 $_size__tile_overlayer_lowered;
	s6 =	simm.s32 $_tile_overlayer_lowered  }
0x9b: {  	s22 =	simm.s32 $0x1BFF;
	s21 =	sshll.u32 s6, $0x1;
	s3 =	sadd.s32 s4, s19  }
0x9c: {  	s7 =	simm.s32 $0x0;
	s20 =	sshll.u32 s5, $0x1;
	s5 =	sadd.s32 s21, s3  }
0x9d: {  	[timem:s7], [sflag:s22] =	dma.local [hbm:s5], s20  }
0x9e: {  	_ =	swait.ge [sflag:s22], s20  }
0x9f: {  	s4 =	ssub.s32 $0x0, s20;
	[sflag:s22] =	ssyncset.done $0x0  }
0xa0: {  	[sflag:s22] =	ssyncadd.s32 s4;
	_ =	sdelay $0x1  }
0xa1: {  	s23 =	simm.s32 $0x1B8B  }
0xa2: {  	_ =	swait.ge [sflag:s23], $0x1  }
0xa3: {  	[sflag:s23] =	ssyncset.done $0x0  }
0xa4: {  	s25 =	simm.s32 $0x1B8E;
	s24 =	sld [smem:$0x3FFE];
	[sflag:s23] =	ssyncadd.s32 $0xFFFFFFFF  }
0xa5: {  	s26 =	simm.s32 $execute0_lowered;
	[smem:$0x3FD2] =	sst s25  }
0xa6: {  	s5 =	sshll.u32 s26, $0x1;
	_ =	strace $0x80000046;
	[dreg:$0x1] =	wrdreg $0xFFFFFFFF  }
0xa7: {  	s28 =	simm.s32 $_size_execute0_lowered;
	s3 =	sadd.s32 s3, s5;
	[dreg:$0x0] =	wrdreg $0x0  }
0xa8: {  	s5 =	sshll.u32 s28, $0x1;
	[dreg:$0x2] =	wrdreg s3  }
0xa9: {  	[dreg:$0x3] =	wrdreg s5  }
0xaa: {  	[dreg:$0x4] =	wrdreg $0xC0  }
0xab: {  	_ =	task [dreg:s7], $0x5FFFF  }
0xac: {  	[dreg:$0x1] =	wrdreg $0xFFFFFFFF  }
0xad: {  	[dreg:$0x0] =	wrdreg $0x60  }
0xae: {  	[dreg:$0x2] =	wrdreg s24  }
0xaf: {  	[dreg:$0x3] =	wrdreg s2  }
0xb0: {  	[dreg:$0x4] =	wrdreg $0x9  }
0xb1: {  	_ =	task.clear_ibuf [dreg:s7], $0x5FFFF;
	_ =	strace $0x90000046  }
0xb2: {  	s29 =	simm.s32 $0x9;
	_ =	strace $0x80000048  }
0xb3: {  	_ =	swait.ge [sflag:s29], $0x1  }
0xb4: {  	[sflag:s29] =	ssyncadd.s32 $0xFFFFFFFF  }
0xb5: {  	_ =	strace $0x90000048  }
0xb6: {  	_ =	sfence  }
0xb7: {  	s30 =	sld [smem:$0x0];
	_ =	sdelay $0x2  }
0xb8: {  	s31 =	sshll.u32 s1, $0xD;
	s1 =	sshrl.u32 s1, $0x2  }
0xb9: {  	s3 =	sand.u32 $0x4000, s31;
	s1 =	sadd.s32 s1, s30  }
0xba: {  	s0 =	sor.u32 s3, s0;
	s1 =	sshll.u32 s1, $0x11  }
0xbb: {  	s0 =	sor.u32 s1, s0  }
0xbc: {  	s0 =	sadd.s32 $0x8F2B, s0  }
0xbd: {  	[sflag:s0] =	ssyncadd.remote.s32 $0x1  }
0xbe: {  	_ =	sfence.sel $0xFFFF  }
0xbf: {  	[dreg:$0x0] =	wrdreg $0xFFFFFFFF;
	(pc) =	sbr.abs _section_cstart, $3  }
0xc0: {  	[dreg:$0x1] =	wrdreg $0xFFFFFFFF  }
0xc1: {  	_ =	task.clear_ibuf [dreg:s7], $0x2FFFF;
	_ =	strace $0x9FFFFFFF  }
0xc2: {  	(tm) =	ssettm $0x7FFFFFFF  }
0xc3: {  	_ =	shalt  }
tec
execute0_lowered:
.L_overlay_start_1:
0x0: {  	(tag) =	ssettag $0x1  }
0x1: {  	s1 =	srdreg.scid;
	s5 =	rddreg [dreg:$0x0]  }
0x2: {  	s0 =	stileid.u32;
	s2 =	rddreg [dreg:$0x1];
	s3 =	simm.s32 $0x0  }
0x3: {  	s11 =	simm.s32 $0x1;
	s4 =	sand.u32 $0x1, s1;
	s30 =	sshll.u32 s0, $0x1  }
0x4: {  	s12 =	simm.s32 $0x7B00;
	s13 =	simm.s32 $0x7E00;
	s6 =	sor.u32 s4, s30  }
0x5: {  	s14 =	simm.s32 $0x8100;
	s15 =	simm.s32 $0x0;
	s7 =	smul.u32 $0x7A1, s6  }
0x6: {  	[smem:$0x7FF] =	sst s3;
	s8 =	smin.u32 s6, $0x4;
	s6 =	smul.u32 $0x870, s6  }
0x7: {  	s1 =	rddreg [dreg:$0x2];
	p0 =	sgt.u32 s0, $0x1;
	_ =	strace $0x80000047  }
0x8: {  	s4 =	ssub.s32 $0x2, s4;
	s7 =	sadd.s32 s8, s7;
	s6 =	sshrl.u32 s6, $0x3  }
0x9: {  	v0 =	vlaneseq.u32;
	s31 =	sshrl.u32 s4, $0x1;
	s7 =	sshll.u32 s7, $0x1;
	s9 =	sadd.s32 s6, s5  }
0xa: {  	v1 =	vor.u32 $0xF0, v0;
	s10 =	ssub.s32 s4, s31;
	s7 =	sadd.s32 s7, s5;
	s6 =	sadd.s32 $0x1EE00, s9  }
0xb: {  	v0 =	vor.u32 $0x1E0, v0;
	[tilespmem:$0x1FFE0] =	vst v1;
	s8 =	sadd.s32 $0x1EEB4, s9;
	s4 =	sadd.s32 $0x400, s7;
	s5 =	sadd.s32 $0x1342, s7  }
0xc: {  	v62 =	vimm.f32 $0.0e+00;
	v3 =	vimm.s32 $0x0;
	[tilespmem:$0x1FFF0] =	vst v0;
	s7 =	sadd.s32 $0x1EE5A, s9;
	s9 =	smax.u32 s10, $0x1;
	s10 =	simm.s32 $0x7A80  }
.LBB2_1:
0xd: {  	[tilespmem:s10], [sflag:$0x1] =	stream.linear.gather [hbm4b:s2+s3], $0x80, $0x38;
	[tilespmem:$0x8400] =	vst v63  }
0xe: {  	_ =	swait.ge [sflag:s11], $0x80  }
0xf: {  	[sflag:s11] =	ssyncset.done $0x0  }
0x10: {  	[sflag:s11] =	ssyncadd.s32 $0xFFFFFF80  }
0x11: {  	[tilespmem:$0x7B00] =	vst v62  }
0x12: {  	[tilespmem:$0x7E00] =	vst v62  }
0x13: {  	[tilespmem:$0x8100] =	vst v62  }
0x14: {  	[tilespmem:$0x7B10] =	vst v62  }
0x15: {  	[tilespmem:$0x7E10] =	vst v62  }
0x16: {  	[tilespmem:$0x8110] =	vst v62  }
0x17: {  	[tilespmem:$0x7B20] =	vst v62  }
0x18: {  	[tilespmem:$0x7E20] =	vst v62  }
0x19: {  	[tilespmem:$0x8120] =	vst v62  }
0x1a: {  	[tilespmem:$0x7B30] =	vst v62  }
0x1b: {  	[tilespmem:$0x7E30] =	vst v62  }
0x1c: {  	[tilespmem:$0x8130] =	vst v62  }
0x1d: {  	[tilespmem:$0x7B40] =	vst v62  }
0x1e: {  	[tilespmem:$0x7E40] =	vst v62  }
0x1f: {  	[tilespmem:$0x8140] =	vst v62  }
0x20: {  	[tilespmem:$0x7B50] =	vst v62  }
0x21: {  	[tilespmem:$0x7E50] =	vst v62  }
0x22: {  	[tilespmem:$0x8150] =	vst v62  }
0x23: {  	[tilespmem:$0x7B60] =	vst v62  }
0x24: {  	[tilespmem:$0x7E60] =	vst v62  }
0x25: {  	[tilespmem:$0x8160] =	vst v62  }
0x26: {  	[tilespmem:$0x7B70] =	vst v62  }
0x27: {  	[tilespmem:$0x7E70] =	vst v62  }
0x28: {  	[tilespmem:$0x8170] =	vst v62  }
0x29: {  	[tilespmem:$0x7B80] =	vst v62  }
0x2a: {  	[tilespmem:$0x7E80] =	vst v62  }
0x2b: {  	[tilespmem:$0x8180] =	vst v62  }
0x2c: {  	[tilespmem:$0x7B90] =	vst v62  }
0x2d: {  	[tilespmem:$0x7E90] =	vst v62  }
0x2e: {  	[tilespmem:$0x8190] =	vst v62  }
0x2f: {  	[tilespmem:$0x7BA0] =	vst v62  }
0x30: {  	[tilespmem:$0x7EA0] =	vst v62  }
0x31: {  	[tilespmem:$0x81A0] =	vst v62  }
0x32: {  	[tilespmem:$0x7BB0] =	vst v62  }
0x33: {  	[tilespmem:$0x7EB0] =	vst v62  }
0x34: {  	[tilespmem:$0x81B0] =	vst v62  }
0x35: {  	[tilespmem:$0x7BC0] =	vst v62  }
0x36: {  	[tilespmem:$0x7EC0] =	vst v62  }
0x37: {  	[tilespmem:$0x81C0] =	vst v62  }
0x38: {  	[tilespmem:$0x7BD0] =	vst v62  }
0x39: {  	[tilespmem:$0x7ED0] =	vst v62  }
0x3a: {  	[tilespmem:$0x81D0] =	vst v62  }
0x3b: {  	[tilespmem:$0x7BE0] =	vst v62  }
0x3c: {  	[tilespmem:$0x7EE0] =	vst v62  }
0x3d: {  	[tilespmem:$0x81E0] =	vst v62  }
0x3e: {  	[tilespmem:$0x7BF0] =	vst v62  }
0x3f: {  	[tilespmem:$0x7EF0] =	vst v62  }
0x40: {  	[tilespmem:$0x81F0] =	vst v62  }
0x41: {  	[tilespmem:$0x7C00] =	vst v62  }
0x42: {  	[tilespmem:$0x7F00] =	vst v62  }
0x43: {  	[tilespmem:$0x8200] =	vst v62  }
0x44: {  	[tilespmem:$0x7C10] =	vst v62  }
0x45: {  	[tilespmem:$0x7F10] =	vst v62  }
0x46: {  	[tilespmem:$0x8210] =	vst v62  }
0x47: {  	[tilespmem:$0x7C20] =	vst v62  }
0x48: {  	[tilespmem:$0x7F20] =	vst v62  }
0x49: {  	[tilespmem:$0x8220] =	vst v62  }
0x4a: {  	[tilespmem:$0x7C30] =	vst v62  }
0x4b: {  	[tilespmem:$0x7F30] =	vst v62  }
0x4c: {  	[tilespmem:$0x8230] =	vst v62  }
0x4d: {  	[tilespmem:$0x7C40] =	vst v62  }
0x4e: {  	[tilespmem:$0x7F40] =	vst v62  }
0x4f: {  	[tilespmem:$0x8240] =	vst v62  }
0x50: {  	[tilespmem:$0x7C50] =	vst v62  }
0x51: {  	[tilespmem:$0x7F50] =	vst v62  }
0x52: {  	[tilespmem:$0x8250] =	vst v62  }
0x53: {  	[tilespmem:$0x7C60] =	vst v62  }
0x54: {  	[tilespmem:$0x7F60] =	vst v62  }
0x55: {  	[tilespmem:$0x8260] =	vst v62  }
0x56: {  	[tilespmem:$0x7C70] =	vst v62  }
0x57: {  	[tilespmem:$0x7F70] =	vst v62  }
0x58: {  	[tilespmem:$0x8270] =	vst v62  }
0x59: {  	[tilespmem:$0x7C80] =	vst v62  }
0x5a: {  	[tilespmem:$0x7F80] =	vst v62  }
0x5b: {  	[tilespmem:$0x8280] =	vst v62  }
0x5c: {  	[tilespmem:$0x7C90] =	vst v62  }
0x5d: {  	[tilespmem:$0x7F90] =	vst v62  }
0x5e: {  	[tilespmem:$0x8290] =	vst v62  }
0x5f: {  	[tilespmem:$0x7CA0] =	vst v62  }
0x60: {  	[tilespmem:$0x7FA0] =	vst v62  }
0x61: {  	[tilespmem:$0x82A0] =	vst v62  }
0x62: {  	[tilespmem:$0x7CB0] =	vst v62  }
0x63: {  	[tilespmem:$0x7FB0] =	vst v62  }
0x64: {  	[tilespmem:$0x82B0] =	vst v62  }
0x65: {  	[tilespmem:$0x7CC0] =	vst v62  }
0x66: {  	[tilespmem:$0x7FC0] =	vst v62  }
0x67: {  	[tilespmem:$0x82C0] =	vst v62  }
0x68: {  	[tilespmem:$0x7CD0] =	vst v62  }
0x69: {  	[tilespmem:$0x7FD0] =	vst v62  }
0x6a: {  	[tilespmem:$0x82D0] =	vst v62  }
0x6b: {  	[tilespmem:$0x7CE0] =	vst v62  }
0x6c: {  	[tilespmem:$0x7FE0] =	vst v62  }
0x6d: {  	[tilespmem:$0x82E0] =	vst v62  }
0x6e: {  	[tilespmem:$0x7CF0] =	vst v62  }
0x6f: {  	[tilespmem:$0x7FF0] =	vst v62  }
0x70: {  	[tilespmem:$0x82F0] =	vst v62  }
0x71: {  	[tilespmem:$0x7D00] =	vst v62  }
0x72: {  	[tilespmem:$0x8000] =	vst v62  }
0x73: {  	[tilespmem:$0x8300] =	vst v62  }
0x74: {  	[tilespmem:$0x7D10] =	vst v62  }
0x75: {  	[tilespmem:$0x8010] =	vst v62  }
0x76: {  	[tilespmem:$0x8310] =	vst v62  }
0x77: {  	[tilespmem:$0x7D20] =	vst v62  }
0x78: {  	[tilespmem:$0x8020] =	vst v62  }
0x79: {  	[tilespmem:$0x8320] =	vst v62  }
0x7a: {  	[tilespmem:$0x7D30] =	vst v62  }
0x7b: {  	[tilespmem:$0x8030] =	vst v62  }
0x7c: {  	[tilespmem:$0x8330] =	vst v62  }
0x7d: {  	[tilespmem:$0x7D40] =	vst v62  }
0x7e: {  	[tilespmem:$0x8040] =	vst v62  }
0x7f: {  	[tilespmem:$0x8340] =	vst v62  }
0x80: {  	[tilespmem:$0x7D50] =	vst v62  }
0x81: {  	[tilespmem:$0x8050] =	vst v62  }
0x82: {  	[tilespmem:$0x8350] =	vst v62  }
0x83: {  	[tilespmem:$0x7D60] =	vst v62  }
0x84: {  	[tilespmem:$0x8060] =	vst v62  }
0x85: {  	[tilespmem:$0x8360] =	vst v62  }
0x86: {  	[tilespmem:$0x7D70] =	vst v62  }
0x87: {  	[tilespmem:$0x8070] =	vst v62  }
0x88: {  	[tilespmem:$0x8370] =	vst v62  }
0x89: {  	[tilespmem:$0x7D80] =	vst v62  }
0x8a: {  	[tilespmem:$0x8080] =	vst v62  }
0x8b: {  	[tilespmem:$0x8380] =	vst v62  }
0x8c: {  	[tilespmem:$0x7D90] =	vst v62  }
0x8d: {  	[tilespmem:$0x8090] =	vst v62  }
0x8e: {  	[tilespmem:$0x8390] =	vst v62  }
0x8f: {  	[tilespmem:$0x7DA0] =	vst v62  }
0x90: {  	[tilespmem:$0x80A0] =	vst v62  }
0x91: {  	[tilespmem:$0x83A0] =	vst v62  }
0x92: {  	[tilespmem:$0x7DB0] =	vst v62  }
0x93: {  	[tilespmem:$0x80B0] =	vst v62  }
0x94: {  	[tilespmem:$0x83B0] =	vst v62  }
0x95: {  	[tilespmem:$0x7DC0] =	vst v62  }
0x96: {  	[tilespmem:$0x80C0] =	vst v62  }
0x97: {  	[tilespmem:$0x83C0] =	vst v62  }
0x98: {  	[tilespmem:s3], [sflag:$0x1] =	stream.linear.gather [hbm4b:s4+s3], $0x7A10, $0x38;
	[tilespmem:$0x8400] =	vst v63  }
0x99: {  	_ =	swait.ge [sflag:s11], $0x7A10  }
0x9a: {  	[sflag:s11] =	ssyncset.done $0x0  }
0x9b: {  	s16 =	simm.s32 @!p0 $0x0;
	s17 =	simm.s32 @!p0 $0x7A10;
	[sflag:s11] =	ssyncadd.s32 $0xFFFF85F0  }
0x9c: {  	[tilespmem:s17], [sflag:$0x1] =	stream.linear.gather @!p0 [hbm4b:s5+s16], $0x10, $0x38;
	[tilespmem:$0x8400] =	vst v63  }
0x9d: {  	s16 =	simm.s32 @!p0 $0x1  }
0x9e: {  	_ =	swait.ge @!p0 [sflag:s16], $0x10  }
0x9f: {  	[sflag:s16] =	ssyncset.done @!p0 $0x0  }
0xa0: {  	s30 =	simm.s32 $0x40;
	[sflag:s16] =	ssyncadd.s32 @!p0 $0xFFFFFFF0  }
0xa1: {  	v11 =	vld [tilespmem:s30+$0x40]  }
0xa2: {  	v12 =	vld [tilespmem:s30+$0xFFFFFFD0]  }
0xa3: {  	v13 =	vld [tilespmem:s30+$0xFFFFFFE0]  }
0xa4: {  	v14 =	vld [tilespmem:s30+$0xFFFFFFF0]  }
0xa5: {  	v15 =	vld [tilespmem:s30+$0x0]  }
0xa6: {  	v16 =	vld [tilespmem:s30+$0x10]  }
0xa7: {  	v17 =	vld [tilespmem:s30+$0x20]  }
0xa8: {  	v18 =	vld [tilespmem:s30+$0xFFFFFFC0]  }
0xa9: {  	v19 =	vld [tilespmem:s30+$0x30];
	v28 =	vand.u32 $0x7FFFFFFF, v11  }
0xaa: {  	v26 =	vand.u32 $0x7FFFFFFF, v12;
	v25 =	vand.u32 $0x7FFFFFFF, v13;
	v6 =	vmul.f32 $1.500000000e+01, v28  }
0xab: {  	v0 =	vand.u32 $0x7FFFFFFF, v14;
	v4 =	vand.u32 $0x7FFFFFFF, v15;
	v54 =	vand.u32 $0x7FFFFFFF, v16  }
0xac: {  	v2 =	vand.u32 $0x7FFFFFFF, v17;
	v7 =	vmul.f32 $1.500000000e+01, v26;
	v6 =	vtrunc.f32 v6  }
0xad: {  	v27 =	vand.u32 $0x7FFFFFFF, v18;
	v20 =	vmul.f32 $1.500000000e+01, v25;
	v22 =	vcvt.f32.s32 v6  }
0xae: {  	v1 =	vand.u32 $0x7FFFFFFF, v19;
	v21 =	vmul.f32 $1.500000000e+01, v0;
	v31 =	vmul.f32 $1.500000000e+01, v27  }
0xaf: {  	v24 =	vmul.f32 $1.500000000e+01, v4;
	v29 =	vmul.f32 $1.500000000e+01, v54;
	vm0 =	vlt.s32 v22, $0xE  }
0xb0: {  	v30 =	vmul.f32 $1.500000000e+01, v2;
	v31 =	vtrunc.f32 v31;
	v22 =	vnsel vm0, $0xE, v22  }
0xb1: {  	vm12 =	vgt.f32 v18, $0.0e+00;
	v23 =	vtrunc.f32 v7;
	v31 =	vcvt.f32.s32 v31  }
0xb2: {  	vm3 =	vgt.f32 v13, $0.0e+00;
	v20 =	vtrunc.f32 v20;
	v23 =	vcvt.f32.s32 v23  }
0xb3: {  	v21 =	vtrunc.f32 v21;
	v20 =	vcvt.f32.s32 v20;
	vm5 =	vlt.s32 v31, $0xE  }
0xb4: {  	v24 =	vtrunc.f32 v24;
	vm1 =	vlt.s32 v23, $0xE;
	v31 =	vnsel vm5, $0xE, v31  }
0xb5: {  	v21 =	vcvt.f32.s32 v21;
	vm6 =	vlt.s32 v20, $0xE;
	v23 =	vnsel vm1, $0xE, v23;
	v33 =	vld.idx.msk [tilespmem:v22+s10+$0x0], $0xffff  }
0xb6: {  	v32 =	vmul.f32 $1.500000000e+01, v1;
	v24 =	vcvt.f32.s32 v24;
	v20 =	vnsel vm6, $0xE, v20  }
0xb7: {  	v29 =	vtrunc.f32 v29;
	v30 =	vtrunc.f32 v30;
	vm7 =	vlt.s32 v21, $0xE  }
0xb8: {  	v29 =	vcvt.f32.s32 v29;
	vm8 =	vlt.s32 v24, $0xE;
	v21 =	vnsel vm7, $0xE, v21  }
0xb9: {  	v32 =	vtrunc.f32 v32;
	v30 =	vcvt.f32.s32 v30;
	v24 =	vnsel vm8, $0xE, v24;
	v55 =	vld.idx.msk [tilespmem:v31+s10+$0x0], $0xffff  }
0xba: {  	v32 =	vcvt.f32.s32 v32;
	vm9 =	vlt.s32 v29, $0xE;
	v35 =	vld.idx.msk [tilespmem:v23+s10+$0x0], $0xffff;
	vm2 =	vle.f32 v28, v33  }
0xbb: {  	vm4 =	vgt.f32 v14, $0.0e+00;
	v29 =	vnsel vm9, $0xE, v29;
	v56 =	vld.idx.msk [tilespmem:v20+s10+$0x0], $0xffff;
	v34 =	vsel vm2, $0xFFFFFFFF, v3  }
0xbc: {  	vm10 =	vlt.s32 v30, $0xE;
	vm11 =	vlt.s32 v32, $0xE;
	v22 =	vadd.s32 v34, v22  }
0xbd: {  	v36 =	vnsel vm10, $0xE, v30;
	vm5 =	vgt.f32 v12, $0.0e+00;
	v12 =	vld.idx.msk [tilespmem:v21+s10+$0x0], $0xffff;
	v37 =	vadd.s32 $0x1, v22  }
0xbe: {  	v32 =	vnsel vm11, $0xE, v32;
	vm1 =	vgt.f32 v16, $0.0e+00;
	v13 =	vld.idx.msk [tilespmem:v24+s10+$0x0], $0xffff;
	vm6 =	vle.f32 v27, v55  }
0xbf: {  	vm13 =	vle.f32 v26, v35;
	vm2 =	vgt.f32 v15, $0.0e+00;
	v15 =	vsel vm6, $0xFFFFFFFF, v3  }
0xc0: {  	v14 =	vld.idx.msk [tilespmem:v29+s10+$0x0], $0xffff;
	vm14 =	vle.f32 v25, v56;
	v16 =	vadd.s32 v15, v31;
	v15 =	vsel vm13, $0xFFFFFFFF, v3  }
0xc1: {  	v23 =	vadd.s32 v15, v23;
	v15 =	vsel vm14, $0xFFFFFFFF, v3;
	v57 =	vadd.s32 $0x1, v16  }
0xc2: {  	vm15 =	vle.f32 v0, v12;
	v58 =	vadd.s32 v15, v20;
	v12 =	vadd.s32 $0x1, v23;
	v18 =	vld.idx.msk [tilespmem:v37+s10+$0x0], $0xffff  }
0xc3: {  	vm9 =	vle.f32 v4, v13;
	v13 =	vadd.s32 $0x1, v58  }
0xc4: {  	v5 =	vsel vm4, $0x3F800000, v62;
	vm11 =	vgt.f32 v17, $0.0e+00;
	v15 =	vsel vm15, $0xFFFFFFFF, v3;
	v20 =	vld.idx.msk [tilespmem:v36+s10+$0x0], $0xffff  }
0xc5: {  	vm10 =	vle.f32 v54, v14;
	v30 =	vsel vm9, $0xFFFFFFFF, v3;
	v14 =	vadd.s32 v15, v21;
	v21 =	vld.idx.msk [tilespmem:v32+s10+$0x0], $0xffff  }
0xc6: {  	v24 =	vadd.s32 v30, v24;
	v15 =	vsel vm10, $0xFFFFFFFF, v3;
	v59 =	vadd.s32 $0x1, v14;
	v39 =	vld.idx.msk [tilespmem:v57+s10+$0x0], $0xffff  }
0xc7: {  	v17 =	vadd.s32 $0x1, v24;
	v38 =	vadd.s32 v15, v29;
	v41 =	vld.idx.msk [tilespmem:v12+s10+$0x0], $0xffff;
	vm7 =	vgt.f32 v28, v18  }
0xc8: {  	vm0 =	vgt.f32 v19, $0.0e+00;
	v40 =	vadd.s32 $0x1, v38;
	v19 =	vsel vm7, v37, v22;
	v22 =	vld.idx.msk [tilespmem:v13+s10+$0x0], $0xffff  }
0xc9: {  	s31 =	simm.s32 $0xD0;
	[tilespmem:$0x1FF60] =	vst v5;
	v5 =	vld [tilespmem:$0x1FFF0]  }
0xca: {  	v10 =	vsel vm3, $0x3F800000, v62;
	v61 =	vsel vm1, $0x3F800000, v62;
	v30 =	vsel vm12, $0x3F800000, v62;
	v31 =	vld [tilespmem:s31+$0x40]  }
0xcb: {  	v60 =	vsel vm2, $0x3F800000, v62;
	vm14 =	vgt.f32 v11, $0.0e+00;
	vm13 =	vle.f32 v1, v21;
	v42 =	vld.idx.msk [tilespmem:v59+s10+$0x0], $0xffff  }
0xcc: {  	v44 =	vsel vm14, $0x3F800000, v62;
	vm12 =	vle.f32 v2, v20;
	v20 =	vsel vm13, $0xFFFFFFFF, v3;
	v11 =	vld.idx.msk [tilespmem:v17+s10+$0x0], $0xffff  }
0xcd: {  	v29 =	vsel vm5, $0x3F800000, v62;
	v62 =	vsel vm11, $0x3F800000, v62;
	v43 =	vadd.s32 v20, v32;
	v45 =	vld.idx.msk [tilespmem:v40+s10+$0x0], $0xffff;
	[tilespmem:$0x1FF70] =	vst v60  }
0xce: {  	v47 =	vadd.s32 $0x1, v43;
	vm15 =	vgt.f32 v27, v39;
	vm4 =	vgt.f32 v26, v41;
	v48 =	vld [tilespmem:s31+$0xFFFFFFD0];
	[tilespmem:$0x1FF80] =	vst v61  }
0xcf: {  	v18 =	vimm.s32 $0x0;
	v33 =	vsel vm15, v57, v16;
	v50 =	vsel vm4, v12, v23;
	[tilespmem:$0x1FF90] =	vst v62  }
0xd0: {  	v19 =	vshll.u32 v19, $0x4;
	v33 =	vshll.u32 v33, $0x4;
	v50 =	vshll.u32 v50, $0x4;
	v49 =	vld [tilespmem:s31+$0xFFFFFFE0]  }
0xd1: {  	v39 =	vld [tilespmem:s31+$0xFFFFFFF0];
	v37 =	vadd.s32 v5, v19;
	v19 =	vsel vm12, $0xFFFFFFFF, v3;
	vm5 =	vgt.f32 v25, v22  }
0xd2: {  	v21 =	vmovc v54;
	v51 =	vld [tilespmem:s31+$0x0];
	v36 =	vadd.s32 v19, v36;
	v32 =	vand.u32 $0x7FFFFFFF, v31;
	v34 =	vsel vm5, v13, v58  }
0xd3: {  	vm6 =	vgt.f32 v0, v42;
	vm7 =	vgt.f32 v4, v11;
	vm8 =	vgt.f32 v21, v45  }
0xd4: {  	[tilespmem:$0x1FFA0] =	vst v0;
	v0 =	vimm.f32 $0.0e+00;
	v46 =	vadd.s32 $0x1, v36;
	v63 =	vmul.f32 $1.500000000e+01, v32  }
0xd5: {  	v42 =	vld [tilespmem:s31+$0x10];
	[tilespmem:$0x1FFB0] =	vst v4;
	v35 =	vsel vm6, v59, v14;
	v52 =	vsel vm7, v17, v24;
	v22 =	vand.u32 $0x7FFFFFFF, v48  }
0xd6: {  	v41 =	vld [tilespmem:s31+$0x20];
	v17 =	vand.u32 $0x7FFFFFFF, v49;
	v14 =	vand.u32 $0x7FFFFFFF, v39;
	v12 =	vtrunc.f32 v63  }
0xd7: {  	v53 =	vld [tilespmem:s31+$0xFFFFFFC0];
	v16 =	vand.u32 $0x7FFFFFFF, v51;
	v24 =	vmul.f32 $1.500000000e+01, v17;
	v56 =	vmul.f32 $1.500000000e+01, v14  }
0xd8: {  	v58 =	vld.idx.msk [tilespmem:v47+s10+$0x0], $0xffff;
	v38 =	vsel vm8, v40, v38;
	v59 =	vmul.f32 $1.500000000e+01, v16;
	v11 =	vcvt.f32.s32 v12  }
0xd9: {  	v45 =	vld [tilespmem:s31+$0x30];
	v20 =	vsel vm0, $0x3F800000, v0;
	v12 =	vmul.f32 $1.500000000e+01, v22;
	v61 =	vtrunc.f32 v24  }
0xda: {  	v34 =	vshll.u32 v34, $0x4;
	v56 =	vtrunc.f32 v56;
	v59 =	vtrunc.f32 v59  }
0xdb: {  	vm9 =	vlt.s32 v11, $0xE;
	v57 =	vtrunc.f32 v12;
	v12 =	vand.u32 $0x7FFFFFFF, v42  }
0xdc: {  	v13 =	vand.u32 $0x7FFFFFFF, v41;
	v23 =	vand.u32 $0x7FFFFFFF, v53;
	v55 =	vnsel vm9, $0xE, v11  }
0xdd: {  	vm11 =	vgt.f32 v1, v58;
	v61 =	vcvt.f32.s32 v61;
	v56 =	vcvt.f32.s32 v56  }
0xde: {  	v4 =	vmul.f32 $1.500000000e+01, v12;
	v60 =	vmul.f32 $1.500000000e+01, v13;
	v11 =	vand.u32 $0x7FFFFFFF, v45  }
0xdf: {  	v63 =	vmul.f32 $1.500000000e+01, v23;
	v57 =	vcvt.f32.s32 v57;
	v43 =	vsel vm11, v47, v43  }
0xe0: {  	v54 =	vld.idx.msk [tilespmem:v46+s10+$0x0], $0xffff;
	[tilespmem:$0x1FFC0] =	vst v2;
	v6 =	vmul.f32 $1.500000000e+01, v11;
	vm15 =	vlt.s32 v61, $0xE;
	v40 =	vtrunc.f32 v4  }
0xe1: {  	vm6 =	vlt.s32 v56, $0xE;
	v60 =	vtrunc.f32 v60;
	v7 =	vld.idx.msk [tilespmem:v55+s10+$0x0], $0xffff;
	[tilespmem:$0x1FFD0] =	vst v1;
	v1 =	vtrunc.f32 v63  }
0xe2: {  	vm14 =	vlt.s32 v57, $0xE;
	v58 =	vcvt.f32.s32 v1;
	v1 =	vimm.f32 $1.000000000e+00  }
0xe3: {  	v4 =	vcvt.f32.s32 v59;
	v62 =	vtrunc.f32 v6;
	v57 =	vnsel vm14, $0xE, v57;
	[tilespmem:v37+s12+$0x0] =	vst.idx.add.f32.msk $0xffff, v1  }
0xe4: {  	vm12 =	vlt.s32 v58, $0xE;
	[tilespmem:v37+s13+$0x0] =	vst.idx.add.f32.msk $0xffff, v28;
	v28 =	vcvt.f32.s32 v40;
	v40 =	vnsel vm15, $0xE, v61  }
0xe5: {  	v6 =	vcvt.f32.s32 v60;
	vm10 =	vgt.f32 v2, v54;
	v54 =	vnsel vm12, $0xE, v58  }
0xe6: {  	vm7 =	vlt.s32 v4, $0xE;
	v36 =	vsel vm10, v46, v36;
	[tilespmem:v37+s14+$0x0] =	vst.idx.add.f32.msk $0xffff, v44;
	v44 =	vnsel vm6, $0xE, v56  }
0xe7: {  	v58 =	vnsel vm7, $0xE, v4;
	vm13 =	vle.f32 v32, v7;
	vm8 =	vlt.s32 v28, $0xE;
	v4 =	vld [tilespmem:$0x1FFE0]  }
0xe8: {  	vm9 =	vlt.s32 v6, $0xE;
	v46 =	vld.idx.msk [tilespmem:v57+s10+$0x0], $0xffff;
	v2 =	vsel vm13, $0xFFFFFFFF, v3;
	v28 =	vnsel vm8, $0xE, v28  }
0xe9: {  	v7 =	vcvt.f32.s32 v62;
	v62 =	vnsel vm9, $0xE, v6;
	v55 =	vadd.s32 v2, v55;
	v47 =	vld.idx.msk [tilespmem:v40+s10+$0x0], $0xffff  }
0xea: {  	vm2 =	vgt.f32 v48, $0.0e+00;
	v2 =	vlaneseq.u32;
	v59 =	vadd.s32 $0x1, v55;
	v60 =	vld.idx.msk [tilespmem:v54+s10+$0x0], $0xffff  }
0xeb: {  	v35 =	vshll.u32 v35, $0x4;
	vm5 =	vgt.f32 v53, $0.0e+00;
	v48 =	vor.u32 v2, v33;
	v53 =	vld.idx.msk [tilespmem:v44+s10+$0x0], $0xffff  }
0xec: {  	v52 =	vshll.u32 v52, $0x4;
	vm3 =	vgt.f32 v49, $0.0e+00;
	v49 =	vld.idx.msk [tilespmem:v58+s10+$0x0], $0xffff;
	v50 =	vadd.s32 v4, v50  }
0xed: {  	v38 =	vshll.u32 v38, $0x4;
	vm4 =	vgt.f32 v39, $0.0e+00;
	vm1 =	vgt.f32 v51, $0.0e+00;
	v39 =	vld.idx.msk [tilespmem:v28+s10+$0x0], $0xffff  }
0xee: {  	vm0 =	vgt.f32 v42, $0.0e+00;
	v43 =	vshll.u32 v43, $0x4;
	vm10 =	vlt.s32 v7, $0xE;
	v61 =	vld.idx.msk [tilespmem:v62+s10+$0x0], $0xffff  }
0xef: {  	v36 =	vshll.u32 v36, $0x4;
	v63 =	vnsel vm10, $0xE, v7;
	v33 =	vadd.s32 v5, v34;
	v37 =	vld.idx.msk [tilespmem:v59+s10+$0x0], $0xffff  }
0xf0: {  	vm13 =	vle.f32 v22, v46;
	v34 =	vsel vm4, $0x3F800000, v0;
	[tilespmem:v48+s12+$0x0] =	vst.idx.add.f32.msk $0xffff, v1;
	vm14 =	vle.f32 v17, v47  }
0xf1: {  	v56 =	vsel vm13, $0xFFFFFFFF, v3;
	vm12 =	vle.f32 v23, v60;
	vm9 =	vle.f32 v16, v49;
	[tilespmem:v50+s12+$0x0] =	vst.idx.add.f32.msk $0xffff, v1  }
0xf2: {  	vm15 =	vle.f32 v14, v53;
	v6 =	vsel vm9, $0xFFFFFFFF, v3;
	vm10 =	vle.f32 v12, v39;
	[tilespmem:v50+s13+$0x0] =	vst.idx.add.f32.msk $0xffff, v26  }
0xf3: {  	v51 =	vadd.s32 v6, v58;
	v7 =	vsel vm10, $0xFFFFFFFF, v3;
	[tilespmem:v50+s14+$0x0] =	vst.idx.add.f32.msk $0xffff, v29;
	v50 =	vadd.s32 v56, v57  }
0xf4: {  	[tilespmem:v33+s12+$0x0] =	vst.idx.add.f32.msk $0xffff, v1;
	v42 =	vadd.s32 $0x1, v51;
	vm11 =	vgt.f32 v32, v37;
	v49 =	vadd.s32 v7, v28  }
0xf5: {  	[tilespmem:v48+s13+$0x0] =	vst.idx.add.f32.msk $0xffff, v27;
	v37 =	vsel vm11, v59, v55;
	v55 =	vsel vm12, $0xFFFFFFFF, v3;
	v58 =	vadd.s32 $0x1, v49  }
0xf6: {  	[tilespmem:v48+s14+$0x0] =	vst.idx.add.f32.msk $0xffff, v30;
	v37 =	vshll.u32 v37, $0x4;
	v47 =	vadd.s32 v55, v54;
	v55 =	vadd.s32 $0x1, v50  }
0xf7: {  	vm13 =	vgt.f32 v45, $0.0e+00;
	v30 =	vsel vm15, $0xFFFFFFFF, v3;
	v59 =	vld.idx.msk [tilespmem:v63+s10+$0x0], $0xffff;
	v60 =	vadd.s32 v5, v37  }
0xf8: {  	v27 =	vsel vm14, $0xFFFFFFFF, v3;
	[tilespmem:v33+s13+$0x0] =	vst.idx.add.f32.msk $0xffff, v25;
	v54 =	vadd.s32 v30, v44;
	v53 =	vadd.s32 $0x1, v47  }
0xf9: {  	v25 =	vsel vm2, $0x3F800000, v0;
	v29 =	vadd.s32 v5, v38;
	v57 =	vadd.s32 $0x1, v54;
	v38 =	vld.idx.msk [tilespmem:v42+s10+$0x0], $0xffff  }
0xfa: {  	v48 =	vadd.s32 v27, v40;
	v27 =	vadd.s32 v4, v43;
	v28 =	vor.u32 v2, v36;
	v36 =	vld.idx.msk [tilespmem:v58+s10+$0x0], $0xffff  }
0xfb: {  	vm14 =	vle.f32 v13, v61;
	v39 =	vsel vm3, $0x3F800000, v0;
	v56 =	vadd.s32 $0x1, v48;
	v61 =	vld.idx.msk [tilespmem:v55+s10+$0x0], $0xffff  }
0xfc: {  	vm11 =	vgt.f32 v31, $0.0e+00;
	vm12 =	vgt.f32 v41, $0.0e+00;
	vm15 =	vle.f32 v11, v59;
	[tilespmem:v60+s12+$0x0] =	vst.idx.add.f32.msk $0xffff, v1  }
0xfd: {  	v31 =	vadd.s32 v4, v52;
	v30 =	vsel vm14, $0xFFFFFFFF, v3;
	v59 =	vsel vm15, $0xFFFFFFFF, v3;
	v52 =	vld.idx.msk [tilespmem:v53+s10+$0x0], $0xffff  }
0xfe: {  	v43 =	vadd.s32 v30, v62;
	v62 =	vimm.f32 $0.0e+00;
	v40 =	vadd.s32 v59, v63;
	v59 =	vld.idx.msk [tilespmem:v57+s10+$0x0], $0xffff  }
0xff: {  	v26 =	vsel vm11, $0x3F800000, v0;
	v37 =	vor.u32 v2, v35;
	v44 =	vsel vm1, $0x3F800000, v62;
	[tilespmem:v60+s13+$0x0] =	vst.idx.add.f32.msk $0xffff, v32  }
0x100: {  	v46 =	vadd.s32 $0x1, v43;
	v41 =	vsel vm0, $0x3F800000, v62;
	v35 =	vsel vm12, $0x3F800000, v62;
	[tilespmem:v60+s14+$0x0] =	vst.idx.add.f32.msk $0xffff, v26  }
0x101: {  	s17 =	simm.s32 $0x160;
	s16 =	simm.s32 $0x9;
	v30 =	vsel vm13, $0x3F800000, v62;
	v45 =	vadd.s32 $0x1, v40;
	v26 =	vsel vm5, $0x3F800000, v0;
	v60 =	vld.idx.msk [tilespmem:v56+s10+$0x0], $0xffff  }
.LBB2_2:
0x102: {  	_ =	sdelay $0x2  }
0x103: {  	v32 =	vld [tilespmem:s17+$0x40]  }
0x104: {  	v1 =	vld.idx.msk [tilespmem:v46+s10+$0x0], $0xffff  }
0x105: {  	v24 =	vmov v21;
	v21 =	vld [tilespmem:$0x1FFA0]  }
0x106: {  	vm0 =	vgt.f32 v23, v52;
	v52 =	vld [tilespmem:s17+$0xFFFFFFD0]  }
0x107: {  	vm7 =	vgt.f32 v22, v61;
	v47 =	vsel vm0, v53, v47;
	v53 =	vld [tilespmem:s17+$0xFFFFFFE0]  }
0x108: {  	vm8 =	vgt.f32 v17, v60;
	v50 =	vsel vm7, v55, v50;
	v55 =	vld [tilespmem:s17+$0xFFFFFFF0]  }
0x109: {  	vm9 =	vgt.f32 v14, v59;
	v48 =	vsel vm8, v56, v48;
	v56 =	vld [tilespmem:s17+$0x0]  }
0x10a: {  	v59 =	vsel vm9, v57, v54;
	v54 =	vld [tilespmem:s17+$0x10]  }
0x10b: {  	vm11 =	vgt.f32 v12, v36;
	v57 =	vld [tilespmem:s17+$0x20]  }
0x10c: {  	v62 =	vsel vm11, v58, v49;
	v58 =	vld [tilespmem:s17+$0x30]  }
0x10d: {  	v15 =	vimm.f32 $1.000000000e+00;
	[tilespmem:v33+s14+$0x0] =	vst.idx.add.f32.msk $0xffff, v10  }
0x10e: {  	[tilespmem:v37+s12+$0x0] =	vst.idx.add.f32.msk $0xffff, v15  }
0x10f: {  	vm10 =	vgt.f32 v16, v38;
	v38 =	vand.u32 $0x7FFFFFFF, v32;
	[tilespmem:v31+s12+$0x0] =	vst.idx.add.f32.msk $0xffff, v15  }
0x110: {  	[tilespmem:v29+s12+$0x0] =	vst.idx.add.f32.msk $0xffff, v15;
	v7 =	vmul.f32 $1.500000000e+01, v38  }
0x111: {  	v60 =	vsel vm10, v42, v51;
	[tilespmem:v28+s12+$0x0] =	vst.idx.add.f32.msk $0xffff, v15  }
0x112: {  	v51 =	vshll.u32 v59, $0x4;
	v59 =	vld [tilespmem:s17+$0xFFFFFFC0];
	v61 =	vtrunc.f32 v7;
	v42 =	vand.u32 $0x7FFFFFFF, v52  }
0x113: {  	[tilespmem:v37+s13+$0x0] =	vst.idx.add.f32.msk $0xffff, v21;
	v21 =	vmovc v14;
	v61 =	vcvt.f32.s32 v61;
	vm11 =	vgt.f32 v52, $0.0e+00;
	v49 =	vmul.f32 $1.500000000e+01, v42  }
0x114: {  	[tilespmem:$0x1FFA0] =	vst v21;
	v21 =	vld [tilespmem:$0x1FF60];
	v36 =	vand.u32 $0x7FFFFFFF, v53;
	v2 =	vand.u32 $0x7FFFFFFF, v55;
	v5 =	vand.u32 $0x7FFFFFFF, v56  }
0x115: {  	v19 =	vmovc v39;
	v7 =	vld.idx.msk [tilespmem:v45+s10+$0x0], $0xffff;
	v9 =	vand.u32 $0x7FFFFFFF, v57;
	v39 =	vand.u32 $0x7FFFFFFF, v58;
	v63 =	vmul.f32 $1.500000000e+01, v36  }
0x116: {  	[tilespmem:v29+s13+$0x0] =	vst.idx.add.f32.msk $0xffff, v24;
	v4 =	vmul.f32 $1.500000000e+01, v2;
	v0 =	vmul.f32 $1.500000000e+01, v5;
	vm12 =	vlt.s32 v61, $0xE  }
0x117: {  	[tilespmem:v27+s12+$0x0] =	vst.idx.add.f32.msk $0xffff, v15;
	v33 =	vmul.f32 $1.500000000e+01, v9;
	v3 =	vtrunc.f32 v49;
	v49 =	vand.u32 $0x7FFFFFFF, v59  }
0x118: {  	v52 =	vld [tilespmem:$0x1FFF0];
	v10 =	vmul.f32 $1.500000000e+01, v39;
	v14 =	vmovc v2;
	v61 =	vnsel vm12, $0xE, v61;
	v2 =	vmul.f32 $1.500000000e+01, v49  }
0x119: {  	vm13 =	vgt.f32 v13, v1;
	[tilespmem:v37+s14+$0x0] =	vst.idx.add.f32.msk $0xffff, v21;
	v63 =	vtrunc.f32 v63;
	v4 =	vtrunc.f32 v4  }
0x11a: {  	v21 =	vmovc v34;
	v34 =	vmovc v16;
	vm1 =	vgt.f32 v11, v7;
	v37 =	vtrunc.f32 v2;
	v2 =	vtrunc.f32 v33;
	v33 =	vld [tilespmem:$0x1FFB0]  }
0x11b: {  	v0 =	vtrunc.f32 v0;
	v4 =	vcvt.f32.s32 v4;
	[tilespmem:$0x1FFB0] =	vst v34;
	v34 =	vsel vm1, v45, v40;
	v40 =	vld [tilespmem:$0x1FF80]  }
0x11c: {  	v6 =	vand.u32 $0x7FFFFFFF, v54;
	[tilespmem:$0x1FF60] =	vst v21;
	v21 =	vld [tilespmem:$0x1FF70];
	v63 =	vcvt.f32.s32 v63;
	v0 =	vcvt.f32.s32 v0  }
0x11d: {  	v1 =	vcvt.f32.s32 v37;
	v37 =	vtrunc.f32 v10;
	vm3 =	vlt.s32 v4, $0xE;
	v10 =	vld.idx.msk [tilespmem:v61+s10+$0x0], $0xffff  }
0x11e: {  	vm2 =	vlt.s32 v63, $0xE;
	v4 =	vnsel vm3, $0xE, v4;
	vm3 =	vgt.f32 v56, $0.0e+00;
	v56 =	vld [tilespmem:$0x1FFE0]  }
0x11f: {  	v8 =	vmul.f32 $1.500000000e+01, v6;
	v16 =	vmovc v5;
	v3 =	vcvt.f32.s32 v3;
	v5 =	vnsel vm2, $0xE, v63;
	[tilespmem:v31+s13+$0x0] =	vst.idx.add.f32.msk $0xffff, v33  }
0x120: {  	vm4 =	vlt.s32 v0, $0xE;
	[tilespmem:v29+s14+$0x0] =	vst.idx.add.f32.msk $0xffff, v40  }
0x121: {  	v8 =	vtrunc.f32 v8;
	vm15 =	vlt.s32 v3, $0xE;
	v0 =	vnsel vm4, $0xE, v0;
	[tilespmem:v31+s14+$0x0] =	vst.idx.add.f32.msk $0xffff, v21  }
0x122: {  	v8 =	vcvt.f32.s32 v8;
	v3 =	vnsel vm15, $0xE, v3;
	v31 =	vmov v44;
	v44 =	vld [tilespmem:$0x1FFC0]  }
0x123: {  	vm7 =	vle.f32 v38, v10;
	v10 =	vld [tilespmem:$0x1FF90]  }
0x124: {  	v45 =	vmovc v13;
	v13 =	vmovc v9;
	v9 =	vmov v35;
	v2 =	vcvt.f32.s32 v2;
	vm5 =	vlt.s32 v8, $0xE;
	v35 =	vld.idx.msk [tilespmem:v5+s10+$0x0], $0xffff  }
0x125: {  	vm1 =	vgt.f32 v57, $0.0e+00;
	v8 =	vnsel vm5, $0xE, v8;
	vm2 =	vgt.f32 v58, $0.0e+00;
	v57 =	vld.idx.msk [tilespmem:v4+s10+$0x0], $0xffff  }
0x126: {  	vm6 =	vlt.s32 v2, $0xE;
	v33 =	vsel vm13, v46, v43;
	v58 =	vld.idx.msk [tilespmem:v0+s10+$0x0], $0xffff;
	v46 =	vsel vm7, $0xFFFFFFFF, v18  }
0x127: {  	v2 =	vnsel vm6, $0xE, v2;
	[tilespmem:$0x1FF90] =	vst v9;
	v7 =	vadd.s32 v46, v61;
	v61 =	vld.idx.msk [tilespmem:v3+s10+$0x0], $0xffff  }
0x128: {  	v50 =	vshll.u32 v50, $0x4;
	v9 =	vadd.s32 $0x1, v7;
	[tilespmem:v28+s13+$0x0] =	vst.idx.add.f32.msk $0xffff, v44  }
0x129: {  	v47 =	vshll.u32 v47, $0x4;
	v44 =	vadd.s32 v56, v50;
	[tilespmem:v28+s14+$0x0] =	vst.idx.add.f32.msk $0xffff, v10  }
0x12a: {  	v48 =	vshll.u32 v48, $0x4;
	v60 =	vshll.u32 v60, $0x4;
	vm0 =	vgt.f32 v54, $0.0e+00;
	v10 =	vld [tilespmem:$0x1FFD0]  }
0x12b: {  	vm10 =	vgt.f32 v59, $0.0e+00;
	vm12 =	vgt.f32 v53, $0.0e+00;
	v37 =	vcvt.f32.s32 v37;
	v54 =	vld.idx.msk [tilespmem:v8+s10+$0x0], $0xffff  }
0x12c: {  	v63 =	vlaneseq.u32;
	vm14 =	vlt.s32 v1, $0xE;
	[tilespmem:$0x1FF70] =	vst v31;
	v31 =	vadd.s32 v56, v60;
	v60 =	vld.idx.msk [tilespmem:v2+s10+$0x0], $0xffff  }
0x12d: {  	v1 =	vnsel vm14, $0xE, v1;
	vm9 =	vlt.s32 v37, $0xE;
	v43 =	vmovc v41;
	v41 =	vor.u32 v63, v47;
	v40 =	vld.idx.msk [tilespmem:v9+s10+$0x0], $0xffff  }
0x12e: {  	v21 =	vmovc v12;
	v12 =	vmov v6;
	v28 =	vshll.u32 v33, $0x4;
	v33 =	vadd.s32 v52, v48;
	[tilespmem:v44+s12+$0x0] =	vst.idx.add.f32.msk $0xffff, v15  }
0x12f: {  	v6 =	vnsel vm9, $0xE, v37;
	v37 =	vor.u32 v63, v51;
	vm15 =	vle.f32 v42, v61;
	[tilespmem:v27+s13+$0x0] =	vst.idx.add.f32.msk $0xffff, v10  }
0x130: {  	vm8 =	vle.f32 v36, v35;
	v28 =	vor.u32 v63, v28;
	v61 =	vsel vm15, $0xFFFFFFFF, v18;
	[tilespmem:v44+s13+$0x0] =	vst.idx.add.f32.msk $0xffff, v22  }
0x131: {  	vm13 =	vgt.f32 v55, $0.0e+00;
	v55 =	vsel vm8, $0xFFFFFFFF, v18;
	v50 =	vadd.s32 v61, v3;
	v10 =	vmovc v11;
	[tilespmem:v27+s14+$0x0] =	vst.idx.add.f32.msk $0xffff, v20  }
0x132: {  	v48 =	vadd.s32 v55, v5;
	v55 =	vadd.s32 $0x1, v50;
	[tilespmem:$0x1FFD0] =	vst v10;
	v10 =	vshll.u32 v62, $0x4;
	v20 =	vmovc v30;
	v30 =	vld.idx.msk [tilespmem:v1+s10+$0x0], $0xffff  }
0x133: {  	[tilespmem:v33+s12+$0x0] =	vst.idx.add.f32.msk $0xffff, v15;
	v62 =	vimm.f32 $0.0e+00;
	v27 =	vshll.u32 v34, $0x4;
	v29 =	vadd.s32 v52, v10  }
0x134: {  	v11 =	vmovc v39;
	[tilespmem:v41+s12+$0x0] =	vst.idx.add.f32.msk $0xffff, v15;
	v10 =	vsel vm10, $0x3F800000, v62;
	v27 =	vadd.s32 v56, v27;
	v39 =	vsel vm12, $0x3F800000, v62  }
0x135: {  	v34 =	vsel vm13, $0x3F800000, v62;
	v63 =	vld.idx.msk [tilespmem:v6+s10+$0x0], $0xffff;
	vm10 =	vle.f32 v14, v57;
	vm12 =	vle.f32 v12, v54  }
0x136: {  	[tilespmem:v44+s14+$0x0] =	vst.idx.add.f32.msk $0xffff, v25;
	vm13 =	vle.f32 v13, v60;
	vm9 =	vgt.f32 v38, v40;
	v57 =	vsel vm10, $0xFFFFFFFF, v18  }
0x137: {  	v56 =	vsel vm9, v9, v7;
	v54 =	vadd.s32 v57, v4;
	vm14 =	vle.f32 v49, v30  }
0x138: {  	[tilespmem:v33+s13+$0x0] =	vst.idx.add.f32.msk $0xffff, v17;
	v57 =	vadd.s32 $0x1, v54;
	v30 =	vsel vm11, $0x3F800000, v62;
	v59 =	vsel vm14, $0xFFFFFFFF, v18  }
0x139: {  	[tilespmem:v41+s13+$0x0] =	vst.idx.add.f32.msk $0xffff, v23;
	v47 =	vadd.s32 v59, v1;
	v1 =	vshll.u32 v56, $0x4;
	v56 =	vadd.s32 $0x1, v48  }
0x13a: {  	vm11 =	vle.f32 v16, v58;
	vm14 =	vle.f32 v11, v63;
	v1 =	vadd.s32 v52, v1  }
0x13b: {  	[tilespmem:v41+s14+$0x0] =	vst.idx.add.f32.msk $0xffff, v26;
	v58 =	vsel vm11, $0xFFFFFFFF, v18;
	v61 =	vsel vm14, $0xFFFFFFFF, v18;
	v53 =	vadd.s32 $0x1, v47  }
0x13c: {  	v59 =	vsel vm12, $0xFFFFFFFF, v18;
	v51 =	vadd.s32 v58, v0;
	v40 =	vadd.s32 v61, v6;
	v61 =	vld.idx.msk [tilespmem:v55+s10+$0x0], $0xffff  }
0x13d: {  	v22 =	vmovc v42;
	v23 =	vmovc v49;
	v60 =	vsel vm13, $0xFFFFFFFF, v18;
	v49 =	vadd.s32 v59, v8;
	v42 =	vadd.s32 $0x1, v51;
	v59 =	vld.idx.msk [tilespmem:v57+s10+$0x0], $0xffff  }
0x13e: {  	s16 =	sadd.s32 $0x9, s16;
	[tilespmem:$0x1FF80] =	vst v43;
	v43 =	vadd.s32 v60, v2;
	v58 =	vadd.s32 $0x1, v49;
	v60 =	vld.idx.msk [tilespmem:v56+s10+$0x0], $0xffff  }
0x13f: {  	p1 =	slt.u32 s16, $0x798;
	[tilespmem:v1+s12+$0x0] =	vst.idx.add.f32.msk $0xffff, v15  }
.Ltmp0:
0x140: {  	v52 =	vld.idx.msk [tilespmem:v53+s10+$0x0], $0xffff;
	(pc) =	sbr.rel @p1 .LBB2_2-.Ltmp0, $4  }
0x141: {  	[tilespmem:v1+s13+$0x0] =	vst.idx.add.f32.msk $0xffff, v38  }
0x142: {  	vm15 =	vgt.f32 v32, $0.0e+00;
	v44 =	vsel vm3, $0x3F800000, v62;
	v38 =	vld.idx.msk [tilespmem:v42+s10+$0x0], $0xffff  }
0x143: {  	[tilespmem:$0x1FFC0] =	vst v45;
	v17 =	vmovc v36;
	v35 =	vsel vm1, $0x3F800000, v62;
	v26 =	vmovc v10;
	v41 =	vsel vm0, $0x3F800000, v62;
	v63 =	vsel vm15, $0x3F800000, v62;
	v36 =	vld.idx.msk [tilespmem:v58+s10+$0x0], $0xffff  }
0x144: {  	s17 =	sadd.s32 $0x90, s17;
	v10 =	vmovc v19;
	v46 =	vadd.s32 $0x1, v43;
	v25 =	vmovc v30;
	v30 =	vsel vm2, $0x3F800000, v62;
	v45 =	vadd.s32 $0x1, v40;
	[tilespmem:v1+s14+$0x0] =	vst.idx.add.f32.msk $0xffff, v63  }
0x145: {  	_ =	sdelay $0x3  }
0x146: {  	[tilespmem:v33+s14+$0x0] =	vst.idx.add.f32.msk $0xffff, v10;
	v6 =	vimm.f32 $1.000000000e+00  }
0x147: {  	[tilespmem:v37+s12+$0x0] =	vst.idx.add.f32.msk $0xffff, v6  }
0x148: {  	v2 =	vld [tilespmem:$0x1FFA0];
	_ =	sdelay $0x4  }
0x149: {  	[tilespmem:v37+s13+$0x0] =	vst.idx.add.f32.msk $0xffff, v2  }
0x14a: {  	v2 =	vld [tilespmem:$0x1FF60];
	_ =	sdelay $0x3  }
0x14b: {  	[tilespmem:v31+s12+$0x0] =	vst.idx.add.f32.msk $0xffff, v6  }
0x14c: {  	[tilespmem:v37+s14+$0x0] =	vst.idx.add.f32.msk $0xffff, v2  }
0x14d: {  	v2 =	vld [tilespmem:$0x1FFB0];
	_ =	sdelay $0x4  }
0x14e: {  	[tilespmem:v31+s13+$0x0] =	vst.idx.add.f32.msk $0xffff, v2  }
0x14f: {  	v2 =	vld [tilespmem:$0x1FF70];
	_ =	sdelay $0x2  }
0x150: {  	[tilespmem:v29+s12+$0x0] =	vst.idx.add.f32.msk $0xffff, v6  }
0x151: {  	[tilespmem:v29+s13+$0x0] =	vst.idx.add.f32.msk $0xffff, v21  }
0x152: {  	[tilespmem:v31+s14+$0x0] =	vst.idx.add.f32.msk $0xffff, v2  }
0x153: {  	v3 =	vld [tilespmem:$0x1FF80];
	_ =	sdelay $0x3  }
0x154: {  	[tilespmem:v28+s12+$0x0] =	vst.idx.add.f32.msk $0xffff, v6  }
0x155: {  	[tilespmem:v29+s14+$0x0] =	vst.idx.add.f32.msk $0xffff, v3  }
0x156: {  	v3 =	vld [tilespmem:$0x1FFC0];
	_ =	sdelay $0x4  }
0x157: {  	[tilespmem:v28+s13+$0x0] =	vst.idx.add.f32.msk $0xffff, v3  }
0x158: {  	v4 =	vld [tilespmem:$0x1FF90];
	_ =	sdelay $0x3  }
0x159: {  	[tilespmem:v27+s12+$0x0] =	vst.idx.add.f32.msk $0xffff, v6  }
0x15a: {  	[tilespmem:v28+s14+$0x0] =	vst.idx.add.f32.msk $0xffff, v4  }
0x15b: {  	vm0 =	vgt.f32 v23, v52;
	v4 =	vld [tilespmem:$0x1FFD0]  }
0x15c: {  	v2 =	vsel vm0, v53, v47  }
0x15d: {  	v7 =	vlaneseq.u32;
	v2 =	vshll.u32 v2, $0x4  }
0x15e: {  	v2 =	vor.u32 v7, v2;
	_ =	sdelay $0x1  }
0x15f: {  	[tilespmem:v27+s13+$0x0] =	vst.idx.add.f32.msk $0xffff, v4  }
0x160: {  	v8 =	vld [tilespmem:$0x1FFE0]  }
0x161: {  	[tilespmem:v27+s14+$0x0] =	vst.idx.add.f32.msk $0xffff, v20  }
0x162: {  	[tilespmem:v2+s12+$0x0] =	vst.idx.add.f32.msk $0xffff, v6  }
0x163: {  	vm9 =	vgt.f32 v22, v61;
	v9 =	vld [tilespmem:$0x1FFF0]  }
0x164: {  	v3 =	vsel vm9, v55, v50  }
0x165: {  	vm10 =	vgt.f32 v17, v60;
	v3 =	vshll.u32 v3, $0x4  }
0x166: {  	v4 =	vsel vm10, v56, v48;
	v3 =	vadd.s32 v8, v3  }
0x167: {  	v0 =	vld.idx.msk [tilespmem:v46+s10+$0x0], $0xffff;
	v4 =	vshll.u32 v4, $0x4  }
0x168: {  	v1 =	vld.idx.msk [tilespmem:v45+s10+$0x0], $0xffff;
	v4 =	vadd.s32 v9, v4  }
0x169: {  	vm11 =	vgt.f32 v14, v59;
	[tilespmem:v2+s13+$0x0] =	vst.idx.add.f32.msk $0xffff, v23  }
0x16a: {  	v5 =	vsel vm11, v57, v54;
	[tilespmem:v2+s14+$0x0] =	vst.idx.add.f32.msk $0xffff, v26  }
0x16b: {  	v2 =	vshll.u32 v5, $0x4;
	[tilespmem:v3+s12+$0x0] =	vst.idx.add.f32.msk $0xffff, v6  }
0x16c: {  	vm12 =	vgt.f32 v16, v38;
	v2 =	vor.u32 v7, v2;
	[tilespmem:v3+s13+$0x0] =	vst.idx.add.f32.msk $0xffff, v22  }
0x16d: {  	v5 =	vsel vm12, v42, v51;
	[tilespmem:v4+s12+$0x0] =	vst.idx.add.f32.msk $0xffff, v6  }
0x16e: {  	vm13 =	vgt.f32 v12, v36;
	[tilespmem:v3+s14+$0x0] =	vst.idx.add.f32.msk $0xffff, v25;
	v3 =	vshll.u32 v5, $0x4  }
0x16f: {  	[tilespmem:v4+s13+$0x0] =	vst.idx.add.f32.msk $0xffff, v17;
	v5 =	vsel vm13, v58, v49;
	v3 =	vadd.s32 v8, v3  }
0x170: {  	[tilespmem:v4+s14+$0x0] =	vst.idx.add.f32.msk $0xffff, v39;
	v4 =	vshll.u32 v5, $0x4  }
0x171: {  	vm14 =	vgt.f32 v13, v0;
	[tilespmem:v2+s12+$0x0] =	vst.idx.add.f32.msk $0xffff, v6;
	v0 =	vadd.s32 v9, v4  }
0x172: {  	[tilespmem:v2+s13+$0x0] =	vst.idx.add.f32.msk $0xffff, v14  }
0x173: {  	[tilespmem:v2+s14+$0x0] =	vst.idx.add.f32.msk $0xffff, v34;
	v4 =	vsel vm14, v46, v43  }
0x174: {  	v2 =	vshll.u32 v4, $0x4;
	[tilespmem:v3+s12+$0x0] =	vst.idx.add.f32.msk $0xffff, v6  }
0x175: {  	vm15 =	vgt.f32 v11, v1;
	v1 =	vor.u32 v7, v2;
	[tilespmem:v3+s13+$0x0] =	vst.idx.add.f32.msk $0xffff, v16  }
0x176: {  	v2 =	vsel vm15, v45, v40;
	[tilespmem:v0+s12+$0x0] =	vst.idx.add.f32.msk $0xffff, v6  }
0x177: {  	v2 =	vshll.u32 v2, $0x4;
	[tilespmem:v3+s14+$0x0] =	vst.idx.add.f32.msk $0xffff, v44  }
0x178: {  	v2 =	vadd.s32 v8, v2;
	[tilespmem:v0+s13+$0x0] =	vst.idx.add.f32.msk $0xffff, v12  }
0x179: {  	[tilespmem:v0+s14+$0x0] =	vst.idx.add.f32.msk $0xffff, v41  }
0x17a: {  	[tilespmem:v1+s12+$0x0] =	vst.idx.add.f32.msk $0xffff, v6  }
0x17b: {  	[tilespmem:v1+s13+$0x0] =	vst.idx.add.f32.msk $0xffff, v13  }
0x17c: {  	[tilespmem:v1+s14+$0x0] =	vst.idx.add.f32.msk $0xffff, v35  }
0x17d: {  	[tilespmem:v2+s12+$0x0] =	vst.idx.add.f32.msk $0xffff, v6  }
0x17e: {  	[tilespmem:v2+s13+$0x0] =	vst.idx.add.f32.msk $0xffff, v11  }
0x17f: {  	[tilespmem:v2+s14+$0x0] =	vst.idx.add.f32.msk $0xffff, v30  }
0x180: {  	v0 =	vld @!p0 [tilespmem:$0x7A10];
	_ =	sdelay $0x4  }
0x181: {  	v1 =	vand.u32 @!p0 $0x7FFFFFFF, v0  }
0x182: {  	v2 =	vmul.f32 @!p0 $1.500000000e+01, v1;
	_ =	sdelay $0x1  }
0x183: {  	v2 =	vtrunc.f32 @!p0 v2  }
0x184: {  	v2 =	vcvt.f32.s32 @!p0 v2;
	_ =	sdelay $0x1  }
0x185: {  	vm0 =	vlt.s32 @!p0 v2, $0xE  }
0x186: {  	v2 =	vnsel @!p0 vm0, $0xE, v2;
	_ =	sdelay $0x3  }
0x187: {  	s16 =	simm.s32 @!p0 $0x7A80  }
0x188: {  	v3 =	vld.idx.msk @!p0 [tilespmem:v2+s16+$0x0], $0xffff;
	_ =	sdelay $0x4  }
0x189: {  	vm0 =	vle.f32 @!p0 v1, v3;
	v3 =	vimm.s32 @!p0 $0x0  }
0x18a: {  	v3 =	vsel @!p0 vm0, $0xFFFFFFFF, v3  }
0x18b: {  	v2 =	vadd.s32 @!p0 v3, v2  }
0x18c: {  	v3 =	vadd.s32 @!p0 $0x1, v2;
	_ =	sdelay $0x4  }
0x18d: {  	v4 =	vld.idx.msk @!p0 [tilespmem:v3+s16+$0x0], $0xffff;
	_ =	sdelay $0x4  }
0x18e: {  	vm0 =	vgt.f32 @!p0 v1, v4  }
0x18f: {  	v2 =	vsel @!p0 vm0, v3, v2  }
0x190: {  	v3 =	vlaneseq.u32 @!p0;
	v2 =	vshll.u32 @!p0 v2, $0x4  }
0x191: {  	v2 =	vor.u32 @!p0 v3, v2;
	_ =	sdelay $0x3  }
0x192: {  	s16 =	simm.s32 @!p0 $0x7B00;
	v3 =	vimm.f32 @!p0 $1.000000000e+00  }
0x193: {  	vm0 =	vgt.f32 @!p0 v0, $0.0e+00;
	v0 =	vimm.f32 @!p0 $0.0e+00;
	[tilespmem:v2+s16+$0x0] =	vst.idx.add.f32.msk @!p0 $0xffff, v3;
	s16 =	simm.s32 @!p0 $0x7E00  }
0x194: {  	v0 =	vsel @!p0 vm0, $0x3F800000, v0;
	[tilespmem:v2+s16+$0x0] =	vst.idx.add.f32.msk @!p0 $0xffff, v1;
	s16 =	simm.s32 @!p0 $0x8100  }
0x195: {  	[tilespmem:v2+s16+$0x0] =	vst.idx.add.f32.msk @!p0 $0xffff, v0  }
0x196: {  	[hbm4b:s6+s3] =	stream.linear.scatter [tilespmem:s12], [sflag:$0x1], $0x2D0, $0x38;
	[tilespmem:$0x8400] =	vst v63  }
0x197: {  	_ =	swait.ge [sflag:s11], $0x2D0  }
0x198: {  	[sflag:s11] =	ssyncset.done $0x0  }
0x199: {  	[sflag:s11] =	ssyncadd.s32 $0xFFFFFD30  }
0x19a: {  	[hbm4b:s7+s3] =	stream.linear.scatter [tilespmem:s13], [sflag:$0x1], $0x2D0, $0x38;
	[tilespmem:$0x8400] =	vst v63  }
0x19b: {  	s15 =	sadd.s32 $0x1, s15;
	_ =	swait.ge [sflag:s11], $0x2D0  }
0x19c: {  	p1 =	sne.s32 s15, s9;
	[sflag:s11] =	ssyncset.done $0x0  }
.Ltmp1:
0x19d: {  	[sflag:s11] =	ssyncadd.s32 $0xFFFFFD30;
	(pc) =	sbr.rel @p1 .LBB2_1-.Ltmp1, $4  }
0x19e: {  	[hbm4b:s8+s3] =	stream.linear.scatter [tilespmem:s14], [sflag:$0x1], $0x2D0, $0x38;
	[tilespmem:$0x8400] =	vst v63  }
0x19f: {  	_ =	swait.ge [sflag:s11], $0x2D0  }
0x1a0: {  	[sflag:s11] =	ssyncset.done $0x0  }
0x1a1: {  	v3 =	vimm.s32 $0x0;
	[sflag:s11] =	ssyncadd.s32 $0xFFFFFD30  }
0x1a2: {  	_ =	sfence.sel $0x180000  }
0x1a3: {  	[bflag:$0x0] =	sbarrier.arrive $0xFFFF  }
0x1a4: {  	p0 =	sne.s32 s0, $0x0;
	_ =	strace $0x90000047  }
0x1a5: {  	s0 =	sadd.s32 @!p0 $0x100000, s1;
	[bflag:$0x2] =	sbarrier.arrive $0xFFFF  }
0x1a6: {  	[sflag:s0] =	ssyncadd.tile.s32 @!p0 $0x1;
	_ =	shalt  }
.Lfunc_end2:
_tile_overlayer_lowered:
.L_overlay_start_2:
0x1a7: {  	(tag) =	ssettag $0x2  }
0x1a8: {  	s0 =	rddreg [dreg:$0x0];
	s2 =	stileid.u32  }
0x1a9: {  	s1 =	rddreg [dreg:$0x1];
	p0 =	sne.s32 s2, $0x0  }
0x1aa: {  	s3 =	rddreg [dreg:$0x2];
	[bflag:$0x3] =	sbarrier.arrive $0xFFFF;
	s2 =	simm.s32 @!p0 $0x1C01  }
0x1ab: {  	[timem:s3], [sflag:s2] =	dma.local @!p0 [hbm:s0], s1  }
0x1ac: {  	s0 =	simm.s32 @!p0 $0x1  }
0x1ad: {  	_ =	swait.ge @!p0 [sflag:s0], s1  }
0x1ae: {  	s1 =	ssub.s32 @!p0 $0x0, s1;
	[sflag:s0] =	ssyncset.done @!p0 $0x0  }
0x1af: {  	[sflag:s0] =	ssyncadd.s32 @!p0 s1  }
0x1b0: {  	[bflag:$0x3] =	sbarrier.arrive $0xFFFF  }
0x1b1: {  	_ =	shalt  }

</sc_bundles>
